<compile_context>
chip_gen: v7x
topology: tpu7x:2x2x1
jax: 0.10.2.dev20260603
libtpu: 0.0.44.dev20260713+nightly
codegen_flags: <defaults>
</compile_context>

<pallas_src>
import functools

import jax
import jax.numpy as jnp
from jax import lax
from jax.experimental import pallas as pl
from jax.experimental.pallas import tpu as pltpu
from jax.experimental.pallas import tpu_sc as plsc

V = 100000
D = 64
B = 1024
CTX = 20
MAXN = 1.0
R = B * CTX

RB = 16384
HP = RB // 2
GRID_R = (V + RB - 1) // RB
VP = GRID_R * HP

NC, NS, LANES = 2, 16, 16
NW = NC * NS
IPW = R // NW
CHUNK = 128
NCHUNK = IPW // CHUNK

BV = 2048
GRID_V = (V + BV - 1) // BV


def _tr_body(tt_ref, o_ref):
    tt = tt_ref[...]
    n2 = jnp.sum(tt * tt, axis=0, keepdims=True)
    s = jnp.minimum(
        jnp.float32(MAXN), lax.rsqrt(jnp.maximum(n2, jnp.float32(1e-24)))
    )
    tt = tt * s
    eye = (
        lax.broadcasted_iota(jnp.int32, (D, D), 0)
        == lax.broadcasted_iota(jnp.int32, (D, D), 1)
    ).astype(jnp.float32)
    left = lax.slice(tt, (0, 0), (D, HP))
    right = lax.slice(tt, (0, HP), (D, RB))

    def tr(m):
        return lax.dot_general(
            m, eye, dimension_numbers=(((0,), (0,)), ((), ())),
            preferred_element_type=jnp.float32,
        )

    o_ref[...] = jnp.concatenate([tr(left), tr(right)], axis=1)


def _repack_rows(tt):
    return pl.pallas_call(
        _tr_body,
        grid=(GRID_R,),
        in_specs=[pl.BlockSpec((D, RB), lambda v: (0, v))],
        out_specs=pl.BlockSpec((HP, 2 * D), lambda v: (v, 0)),
        out_shape=jax.ShapeDtypeStruct((VP, 2 * D), jnp.float32),
    )(tt)


_mesh = plsc.VectorSubcoreMesh(
    core_axis_name="c", subcore_axis_name="s", num_cores=NC, num_subcores=NS
)


@functools.partial(
    pl.kernel,
    out_type=jax.ShapeDtypeStruct((B, D), jnp.float32),
    mesh=_mesh,
    scratch_types=[
        pltpu.VMEM((NCHUNK, CHUNK), jnp.int32),
        pltpu.VMEM((IPW, D), jnp.float32),
        pltpu.VMEM((B // NW, D), jnp.float32),
        pltpu.SemaphoreType.DMA,
    ],
    compiler_params=pltpu.CompilerParams(
        needs_layout_passes=False, use_tc_tiling_on_sc=False
    ),
)
def _sc_pool(idx_hbm, table_hbm, x_hbm, idx_v, rows_v, out_v, sem):
    wid = lax.axis_index("s") * NC + lax.axis_index("c")
    bpw = B // NW
    pltpu.sync_copy(idx_hbm.at[wid], idx_v)
    copies = [
        pltpu.async_copy(
            table_hbm.at[idx_v.at[j]], rows_v.at[pl.ds(j * CHUNK, CHUNK)], sem
        )
        for j in range(NCHUNK)
    ]
    for c in copies:
        c.wait()

    def mean_body(bi, carry):
        r0 = bi * CTX
        acc = [jnp.zeros((LANES,), jnp.float32) for _ in range(D // LANES)]
        for c in range(CTX):
            for k in range(D // LANES):
                acc[k] = acc[k] + rows_v[r0 + c, pl.ds(k * LANES, LANES)]
        for k in range(D // LANES):
            out_v[bi, pl.ds(k * LANES, LANES)] = acc[k] * jnp.float32(1.0 / CTX)
        return carry

    lax.fori_loop(0, bpw, mean_body, 0)
    pltpu.sync_copy(out_v, x_hbm.at[pl.ds(wid * bpw, bpw)])


def _mm_body(x_ref, wt_ref, b_ref, o_ref):
    o_ref[...] = (
        lax.dot_general(
            wt_ref[...],
            x_ref[...],
            dimension_numbers=(((0,), (1,)), ((), ())),
            preferred_element_type=jnp.float32,
        )
        + jnp.transpose(b_ref[0])
    )


def _project_t(x, Wt, b_rows):
    return pl.pallas_call(
        _mm_body,
        grid=(GRID_V,),
        in_specs=[
            pl.BlockSpec((B, D), lambda v: (0, 0)),
            pl.BlockSpec((D, BV), lambda v: (0, v)),
            pl.BlockSpec((1, 1, BV), lambda v: (v, 0, 0)),
        ],
        out_specs=pl.BlockSpec((BV, B), lambda v: (v, 0)),
        out_shape=jax.ShapeDtypeStruct((V, B), jnp.float32),
    )(x, Wt, b_rows)


def kernel(inputs_, emb_table, W, b):
    jt = inputs_.astype(jnp.int32)
    enc = ((jt >> 14) << 14) + ((jt & (HP - 1)) << 1) + ((jt >> 13) & 1)
    idx = enc.reshape(NW, NCHUNK, CHUNK)
    table64 = _repack_rows(emb_table.T).reshape(2 * VP, D)
    x = _sc_pool(idx, table64)
    b_rows = jnp.pad(b, (0, GRID_V * BV - V)).reshape(GRID_V, 1, BV)
    out_t = _project_t(x, W.T, b_rows)
    return out_t.T

# --- scband reference (transcript-rebuilt; emitter-appended) ---
"""Pipeline reference for scband-cbow-4303557231431 (READ-ONLY COPY).

The authoritative reference and input builder live on the scoring server;
editing this copy changes nothing except your own understanding.
"""

import jax, jax.numpy as jnp
import numpy as np

VOCAB = 100000
EMBED_DIM = 64
BATCH = 1024
CTX = 20
MAX_NORM = 1.0


def setup_inputs(seed: int = 0) -> dict:
    key = jax.random.key(seed)
    k1, k2, k3, k4 = jax.random.split(key, 4)
    inputs_ = jax.random.randint(k1, (BATCH, CTX), 0, VOCAB, dtype=jnp.int64)
    emb_table = jax.random.normal(k2, (VOCAB, EMBED_DIM), dtype=jnp.float32)
    # PyTorch Linear default init: U(-1/sqrt(fan_in), 1/sqrt(fan_in))
    bound = 1.0 / np.sqrt(EMBED_DIM)
    W = jax.random.uniform(k3, (VOCAB, EMBED_DIM), dtype=jnp.float32, minval=-bound, maxval=bound)
    b = jax.random.uniform(k4, (VOCAB,), dtype=jnp.float32, minval=-bound, maxval=bound)
    return {"inputs_": inputs_, "emb_table": emb_table, "W": W, "b": b}


def reference(inputs_, emb_table, W, b):
    # Embedding lookup (gather)
    rows = jnp.take(emb_table, inputs_, axis=0)  # [B, CTX, D]
    # nn.Embedding max_norm=True -> renormalize fetched rows to L2 norm <= 1.0
    norms = jnp.linalg.norm(rows, axis=-1, keepdims=True)
    scale = jnp.minimum(1.0, MAX_NORM / jnp.maximum(norms, 1e-12))
    rows = rows * scale
    # mean over context window
    x = rows.mean(axis=1)  # [B, D]
    # Linear projection back to vocab
    logits = x @ W.T + b  # [B, VOCAB]
    return logits

if __name__ == "__main__":
    import jax
    _d = setup_inputs()
    print(jax.jit(kernel)(*tuple(_d.values())))

</pallas_src>

<mosaic_0001>
#map = affine_map<(d0, d1) -> (0, 0, 0)>
#map1 = affine_map<(d0, d1) -> (0, 0)>
module attributes {stable_mosaic.version = 14 : i64} {
  func.func @_sc_pool(%arg0: i32, %arg1: i32, %arg2: memref<32x5x128xi32, #tpu.memory_space<hbm>>, %arg3: memref<114688x64xf32, #tpu.memory_space<hbm>>, %arg4: memref<1024x64xf32, #tpu.memory_space<hbm>>, %arg5: memref<5x128xi32, #tpu.memory_space<vmem>>, %arg6: memref<640x64xf32, #tpu.memory_space<vmem>>, %arg7: memref<32x64xf32, #tpu.memory_space<vmem>>, %arg8: memref<!tpu.dma_semaphore, #tpu.memory_space<semaphore_mem>>) attributes {dimension_semantics = [#tpu.dimension_semantics<core_parallel>, #tpu.dimension_semantics<subcore_parallel>], iteration_bounds = array<i64: 2, 16>, scalar_prefetch = 0 : i64, scratch_operands = 4 : i64, tpu.core_type = #tpu.core_type<sc_vector_subcore>, window_params = [{transform_indices = #map}, {transform_indices = #map1}, {transform_indices = #map1}]} {
    %mul3A = arith.constant 2 : i32
    %mul3A_0 = arith.muli %arg1, %mul3A : i32
    %add3A = arith.addi %mul3A_0, %arg0 : i32
    "tpu.region"() ({
      %run_scoped3A = tpu.sem_alloc : memref<!tpu.dma_semaphore, #tpu.memory_space<semaphore_mem>>
      %dma_start3A_106 = arith.constant 0 : i32
      %dma_start3A_107 = arith.constant 0 : i32
      %dma_start3A_108 = tpu.memref_slice %arg2[%add3A, %dma_start3A_106, %dma_start3A_107] : memref<32x5x128xi32, #tpu.memory_space<hbm>> -> memref<1x5x128xi32, #tpu.memory_space<hbm>>
      %dma_start3A_109 = tpu.memref_squeeze %dma_start3A_108 : memref<1x5x128xi32, #tpu.memory_space<hbm>> -> memref<5x128xi32, #tpu.memory_space<hbm>>
      %dma_start3A_110 = arith.constant 0 : i32
      %dma_start3A_111 = arith.constant 0 : i32
      %dma_start3A_112 = tpu.memref_slice %arg2[%add3A, %dma_start3A_110, %dma_start3A_111] : memref<32x5x128xi32, #tpu.memory_space<hbm>> -> memref<1x5x128xi32, #tpu.memory_space<hbm>>
      %dma_start3A_113 = tpu.memref_squeeze %dma_start3A_112 : memref<1x5x128xi32, #tpu.memory_space<hbm>> -> memref<5x128xi32, #tpu.memory_space<hbm>>
      tpu.enqueue_dma source(%dma_start3A_113 : memref<5x128xi32, #tpu.memory_space<hbm>>) target(%arg5 : memref<5x128xi32, #tpu.memory_space<vmem>>) target_semaphore(%run_scoped3A : memref<!tpu.dma_semaphore, #tpu.memory_space<semaphore_mem>>)
      %dma_wait3A_114 = arith.constant 0 : i32
      %dma_wait3A_115 = arith.constant 0 : i32
      %dma_wait3A_116 = tpu.memref_slice %arg2[%add3A, %dma_wait3A_114, %dma_wait3A_115] : memref<32x5x128xi32, #tpu.memory_space<hbm>> -> memref<1x5x128xi32, #tpu.memory_space<hbm>>
      %dma_wait3A_117 = tpu.memref_squeeze %dma_wait3A_116 : memref<1x5x128xi32, #tpu.memory_space<hbm>> -> memref<5x128xi32, #tpu.memory_space<hbm>>
      %dma_wait3A_118 = arith.constant 0 : i32
      %dma_wait3A_119 = arith.constant 0 : i32
      %dma_wait3A_120 = tpu.memref_slice %arg2[%add3A, %dma_wait3A_118, %dma_wait3A_119] : memref<32x5x128xi32, #tpu.memory_space<hbm>> -> memref<1x5x128xi32, #tpu.memory_space<hbm>>
      %dma_wait3A_121 = tpu.memref_squeeze %dma_wait3A_120 : memref<1x5x128xi32, #tpu.memory_space<hbm>> -> memref<5x128xi32, #tpu.memory_space<hbm>>
      tpu.wait_dma2 semaphore(%run_scoped3A : memref<!tpu.dma_semaphore, #tpu.memory_space<semaphore_mem>>) src(%dma_wait3A_121 : memref<5x128xi32, #tpu.memory_space<hbm>>) dst(%arg5 : memref<5x128xi32, #tpu.memory_space<vmem>>)
      tpu.yield
    }) : () -> ()
    %dma_start3A = arith.constant 0 : i32
    %dma_start3A_1 = arith.constant 0 : i32
    %dma_start3A_2 = arith.constant 0 : i32
    %dma_start3A_3 = tpu.memref_slice %arg6[%dma_start3A_1, %dma_start3A_2] : memref<640x64xf32, #tpu.memory_space<vmem>> -> memref<128x64xf32, #tpu.memory_space<vmem>>
    %dma_start3A_4 = arith.constant 0 : i32
    %dma_start3A_5 = tpu.memref_slice %arg5[%dma_start3A, %dma_start3A_4] : memref<5x128xi32, #tpu.memory_space<vmem>> -> memref<1x128xi32, #tpu.memory_space<vmem>>
    %dma_start3A_6 = tpu.memref_squeeze %dma_start3A_5 : memref<1x128xi32, #tpu.memory_space<vmem>> -> memref<128xi32, #tpu.memory_space<vmem>>
    %dma_start3A_7 = arith.constant 0 : i32
    %dma_start3A_8 = arith.constant 0 : i32
    %dma_start3A_9 = tpu.memref_slice %arg3[%dma_start3A_7, %dma_start3A_8] : memref<114688x64xf32, #tpu.memory_space<hbm>> -> memref<114688x64xf32, #tpu.memory_space<hbm>>
    tpu.enqueue_indirect_dma source(%dma_start3A_9 : memref<114688x64xf32, #tpu.memory_space<hbm>>) target(%dma_start3A_3 : memref<128x64xf32, #tpu.memory_space<vmem>>) offsets(%dma_start3A_6 : memref<128xi32, #tpu.memory_space<vmem>>) semaphore(%arg8 : memref<!tpu.dma_semaphore, #tpu.memory_space<semaphore_mem>>)
    %dma_start3A_10 = arith.constant 1 : i32
    %dma_start3A_11 = arith.constant 128 : i32
    %dma_start3A_12 = arith.constant 0 : i32
    %dma_start3A_13 = tpu.memref_slice %arg6[%dma_start3A_11, %dma_start3A_12] : memref<640x64xf32, #tpu.memory_space<vmem>> -> memref<128x64xf32, #tpu.memory_space<vmem>>
    %dma_start3A_14 = arith.constant 0 : i32
    %dma_start3A_15 = tpu.memref_slice %arg5[%dma_start3A_10, %dma_start3A_14] : memref<5x128xi32, #tpu.memory_space<vmem>> -> memref<1x128xi32, #tpu.memory_space<vmem>>
    %dma_start3A_16 = tpu.memref_squeeze %dma_start3A_15 : memref<1x128xi32, #tpu.memory_space<vmem>> -> memref<128xi32, #tpu.memory_space<vmem>>
    %dma_start3A_17 = arith.constant 0 : i32
    %dma_start3A_18 = arith.constant 0 : i32
    %dma_start3A_19 = tpu.memref_slice %arg3[%dma_start3A_17, %dma_start3A_18] : memref<114688x64xf32, #tpu.memory_space<hbm>> -> memref<114688x64xf32, #tpu.memory_space<hbm>>
    tpu.enqueue_indirect_dma source(%dma_start3A_19 : memref<114688x64xf32, #tpu.memory_space<hbm>>) target(%dma_start3A_13 : memref<128x64xf32, #tpu.memory_space<vmem>>) offsets(%dma_start3A_16 : memref<128xi32, #tpu.memory_space<vmem>>) semaphore(%arg8 : memref<!tpu.dma_semaphore, #tpu.memory_space<semaphore_mem>>)
    %dma_start3A_20 = arith.constant 2 : i32
    %dma_start3A_21 = arith.constant 256 : i32
    %dma_start3A_22 = arith.constant 0 : i32
    %dma_start3A_23 = tpu.memref_slice %arg6[%dma_start3A_21, %dma_start3A_22] : memref<640x64xf32, #tpu.memory_space<vmem>> -> memref<128x64xf32, #tpu.memory_space<vmem>>
    %dma_start3A_24 = arith.constant 0 : i32
    %dma_start3A_25 = tpu.memref_slice %arg5[%dma_start3A_20, %dma_start3A_24] : memref<5x128xi32, #tpu.memory_space<vmem>> -> memref<1x128xi32, #tpu.memory_space<vmem>>
    %dma_start3A_26 = tpu.memref_squeeze %dma_start3A_25 : memref<1x128xi32, #tpu.memory_space<vmem>> -> memref<128xi32, #tpu.memory_space<vmem>>
    %dma_start3A_27 = arith.constant 0 : i32
    %dma_start3A_28 = arith.constant 0 : i32
    %dma_start3A_29 = tpu.memref_slice %arg3[%dma_start3A_27, %dma_start3A_28] : memref<114688x64xf32, #tpu.memory_space<hbm>> -> memref<114688x64xf32, #tpu.memory_space<hbm>>
    tpu.enqueue_indirect_dma source(%dma_start3A_29 : memref<114688x64xf32, #tpu.memory_space<hbm>>) target(%dma_start3A_23 : memref<128x64xf32, #tpu.memory_space<vmem>>) offsets(%dma_start3A_26 : memref<128xi32, #tpu.memory_space<vmem>>) semaphore(%arg8 : memref<!tpu.dma_semaphore, #tpu.memory_space<semaphore_mem>>)
    %dma_start3A_30 = arith.constant 3 : i32
    %dma_start3A_31 = arith.constant 384 : i32
    %dma_start3A_32 = arith.constant 0 : i32
    %dma_start3A_33 = tpu.memref_slice %arg6[%dma_start3A_31, %dma_start3A_32] : memref<640x64xf32, #tpu.memory_space<vmem>> -> memref<128x64xf32, #tpu.memory_space<vmem>>
    %dma_start3A_34 = arith.constant 0 : i32
    %dma_start3A_35 = tpu.memref_slice %arg5[%dma_start3A_30, %dma_start3A_34] : memref<5x128xi32, #tpu.memory_space<vmem>> -> memref<1x128xi32, #tpu.memory_space<vmem>>
    %dma_start3A_36 = tpu.memref_squeeze %dma_start3A_35 : memref<1x128xi32, #tpu.memory_space<vmem>> -> memref<128xi32, #tpu.memory_space<vmem>>
    %dma_start3A_37 = arith.constant 0 : i32
    %dma_start3A_38 = arith.constant 0 : i32
    %dma_start3A_39 = tpu.memref_slice %arg3[%dma_start3A_37, %dma_start3A_38] : memref<114688x64xf32, #tpu.memory_space<hbm>> -> memref<114688x64xf32, #tpu.memory_space<hbm>>
    tpu.enqueue_indirect_dma source(%dma_start3A_39 : memref<114688x64xf32, #tpu.memory_space<hbm>>) target(%dma_start3A_33 : memref<128x64xf32, #tpu.memory_space<vmem>>) offsets(%dma_start3A_36 : memref<128xi32, #tpu.memory_space<vmem>>) semaphore(%arg8 : memref<!tpu.dma_semaphore, #tpu.memory_space<semaphore_mem>>)
    %dma_start3A_40 = arith.constant 4 : i32
    %dma_start3A_41 = arith.constant 512 : i32
    %dma_start3A_42 = arith.constant 0 : i32
    %dma_start3A_43 = tpu.memref_slice %arg6[%dma_start3A_41, %dma_start3A_42] : memref<640x64xf32, #tpu.memory_space<vmem>> -> memref<128x64xf32, #tpu.memory_space<vmem>>
    %dma_start3A_44 = arith.constant 0 : i32
    %dma_start3A_45 = tpu.memref_slice %arg5[%dma_start3A_40, %dma_start3A_44] : memref<5x128xi32, #tpu.memory_space<vmem>> -> memref<1x128xi32, #tpu.memory_space<vmem>>
    %dma_start3A_46 = tpu.memref_squeeze %dma_start3A_45 : memref<1x128xi32, #tpu.memory_space<vmem>> -> memref<128xi32, #tpu.memory_space<vmem>>
    %dma_start3A_47 = arith.constant 0 : i32
    %dma_start3A_48 = arith.constant 0 : i32
    %dma_start3A_49 = tpu.memref_slice %arg3[%dma_start3A_47, %dma_start3A_48] : memref<114688x64xf32, #tpu.memory_space<hbm>> -> memref<114688x64xf32, #tpu.memory_space<hbm>>
    tpu.enqueue_indirect_dma source(%dma_start3A_49 : memref<114688x64xf32, #tpu.memory_space<hbm>>) target(%dma_start3A_43 : memref<128x64xf32, #tpu.memory_space<vmem>>) offsets(%dma_start3A_46 : memref<128xi32, #tpu.memory_space<vmem>>) semaphore(%arg8 : memref<!tpu.dma_semaphore, #tpu.memory_space<semaphore_mem>>)
    %dma_wait3A = arith.constant 0 : i32
    %dma_wait3A_50 = arith.constant 0 : i32
    %dma_wait3A_51 = arith.constant 0 : i32
    %dma_wait3A_52 = tpu.memref_slice %arg6[%dma_wait3A_50, %dma_wait3A_51] : memref<640x64xf32, #tpu.memory_space<vmem>> -> memref<128x64xf32, #tpu.memory_space<vmem>>
    %dma_wait3A_53 = arith.constant 0 : i32
    %dma_wait3A_54 = tpu.memref_slice %arg5[%dma_wait3A, %dma_wait3A_53] : memref<5x128xi32, #tpu.memory_space<vmem>> -> memref<1x128xi32, #tpu.memory_space<vmem>>
    %dma_wait3A_55 = tpu.memref_squeeze %dma_wait3A_54 : memref<1x128xi32, #tpu.memory_space<vmem>> -> memref<128xi32, #tpu.memory_space<vmem>>
    %dma_wait3A_56 = arith.constant 0 : i32
    %dma_wait3A_57 = arith.constant 0 : i32
    %dma_wait3A_58 = tpu.memref_slice %arg3[%dma_wait3A_56, %dma_wait3A_57] : memref<114688x64xf32, #tpu.memory_space<hbm>> -> memref<114688x64xf32, #tpu.memory_space<hbm>>
    tpu.wait_indirect_dma semaphore(%arg8 : memref<!tpu.dma_semaphore, #tpu.memory_space<semaphore_mem>>) src(%dma_wait3A_58 : memref<114688x64xf32, #tpu.memory_space<hbm>>) dst(%dma_wait3A_52 : memref<128x64xf32, #tpu.memory_space<vmem>>)
    %dma_wait3A_59 = arith.constant 1 : i32
    %dma_wait3A_60 = arith.constant 128 : i32
    %dma_wait3A_61 = arith.constant 0 : i32
    %dma_wait3A_62 = tpu.memref_slice %arg6[%dma_wait3A_60, %dma_wait3A_61] : memref<640x64xf32, #tpu.memory_space<vmem>> -> memref<128x64xf32, #tpu.memory_space<vmem>>
    %dma_wait3A_63 = arith.constant 0 : i32
    %dma_wait3A_64 = tpu.memref_slice %arg5[%dma_wait3A_59, %dma_wait3A_63] : memref<5x128xi32, #tpu.memory_space<vmem>> -> memref<1x128xi32, #tpu.memory_space<vmem>>
    %dma_wait3A_65 = tpu.memref_squeeze %dma_wait3A_64 : memref<1x128xi32, #tpu.memory_space<vmem>> -> memref<128xi32, #tpu.memory_space<vmem>>
    %dma_wait3A_66 = arith.constant 0 : i32
    %dma_wait3A_67 = arith.constant 0 : i32
    %dma_wait3A_68 = tpu.memref_slice %arg3[%dma_wait3A_66, %dma_wait3A_67] : memref<114688x64xf32, #tpu.memory_space<hbm>> -> memref<114688x64xf32, #tpu.memory_space<hbm>>
    tpu.wait_indirect_dma semaphore(%arg8 : memref<!tpu.dma_semaphore, #tpu.memory_space<semaphore_mem>>) src(%dma_wait3A_68 : memref<114688x64xf32, #tpu.memory_space<hbm>>) dst(%dma_wait3A_62 : memref<128x64xf32, #tpu.memory_space<vmem>>)
    %dma_wait3A_69 = arith.constant 2 : i32
    %dma_wait3A_70 = arith.constant 256 : i32
    %dma_wait3A_71 = arith.constant 0 : i32
    %dma_wait3A_72 = tpu.memref_slice %arg6[%dma_wait3A_70, %dma_wait3A_71] : memref<640x64xf32, #tpu.memory_space<vmem>> -> memref<128x64xf32, #tpu.memory_space<vmem>>
    %dma_wait3A_73 = arith.constant 0 : i32
    %dma_wait3A_74 = tpu.memref_slice %arg5[%dma_wait3A_69, %dma_wait3A_73] : memref<5x128xi32, #tpu.memory_space<vmem>> -> memref<1x128xi32, #tpu.memory_space<vmem>>
    %dma_wait3A_75 = tpu.memref_squeeze %dma_wait3A_74 : memref<1x128xi32, #tpu.memory_space<vmem>> -> memref<128xi32, #tpu.memory_space<vmem>>
    %dma_wait3A_76 = arith.constant 0 : i32
    %dma_wait3A_77 = arith.constant 0 : i32
    %dma_wait3A_78 = tpu.memref_slice %arg3[%dma_wait3A_76, %dma_wait3A_77] : memref<114688x64xf32, #tpu.memory_space<hbm>> -> memref<114688x64xf32, #tpu.memory_space<hbm>>
    tpu.wait_indirect_dma semaphore(%arg8 : memref<!tpu.dma_semaphore, #tpu.memory_space<semaphore_mem>>) src(%dma_wait3A_78 : memref<114688x64xf32, #tpu.memory_space<hbm>>) dst(%dma_wait3A_72 : memref<128x64xf32, #tpu.memory_space<vmem>>)
    %dma_wait3A_79 = arith.constant 3 : i32
    %dma_wait3A_80 = arith.constant 384 : i32
    %dma_wait3A_81 = arith.constant 0 : i32
    %dma_wait3A_82 = tpu.memref_slice %arg6[%dma_wait3A_80, %dma_wait3A_81] : memref<640x64xf32, #tpu.memory_space<vmem>> -> memref<128x64xf32, #tpu.memory_space<vmem>>
    %dma_wait3A_83 = arith.constant 0 : i32
    %dma_wait3A_84 = tpu.memref_slice %arg5[%dma_wait3A_79, %dma_wait3A_83] : memref<5x128xi32, #tpu.memory_space<vmem>> -> memref<1x128xi32, #tpu.memory_space<vmem>>
    %dma_wait3A_85 = tpu.memref_squeeze %dma_wait3A_84 : memref<1x128xi32, #tpu.memory_space<vmem>> -> memref<128xi32, #tpu.memory_space<vmem>>
    %dma_wait3A_86 = arith.constant 0 : i32
    %dma_wait3A_87 = arith.constant 0 : i32
    %dma_wait3A_88 = tpu.memref_slice %arg3[%dma_wait3A_86, %dma_wait3A_87] : memref<114688x64xf32, #tpu.memory_space<hbm>> -> memref<114688x64xf32, #tpu.memory_space<hbm>>
    tpu.wait_indirect_dma semaphore(%arg8 : memref<!tpu.dma_semaphore, #tpu.memory_space<semaphore_mem>>) src(%dma_wait3A_88 : memref<114688x64xf32, #tpu.memory_space<hbm>>) dst(%dma_wait3A_82 : memref<128x64xf32, #tpu.memory_space<vmem>>)
    %dma_wait3A_89 = arith.constant 4 : i32
    %dma_wait3A_90 = arith.constant 512 : i32
    %dma_wait3A_91 = arith.constant 0 : i32
    %dma_wait3A_92 = tpu.memref_slice %arg6[%dma_wait3A_90, %dma_wait3A_91] : memref<640x64xf32, #tpu.memory_space<vmem>> -> memref<128x64xf32, #tpu.memory_space<vmem>>
    %dma_wait3A_93 = arith.constant 0 : i32
    %dma_wait3A_94 = tpu.memref_slice %arg5[%dma_wait3A_89, %dma_wait3A_93] : memref<5x128xi32, #tpu.memory_space<vmem>> -> memref<1x128xi32, #tpu.memory_space<vmem>>
    %dma_wait3A_95 = tpu.memref_squeeze %dma_wait3A_94 : memref<1x128xi32, #tpu.memory_space<vmem>> -> memref<128xi32, #tpu.memory_space<vmem>>
    %dma_wait3A_96 = arith.constant 0 : i32
    %dma_wait3A_97 = arith.constant 0 : i32
    %dma_wait3A_98 = tpu.memref_slice %arg3[%dma_wait3A_96, %dma_wait3A_97] : memref<114688x64xf32, #tpu.memory_space<hbm>> -> memref<114688x64xf32, #tpu.memory_space<hbm>>
    tpu.wait_indirect_dma semaphore(%arg8 : memref<!tpu.dma_semaphore, #tpu.memory_space<semaphore_mem>>) src(%dma_wait3A_98 : memref<114688x64xf32, #tpu.memory_space<hbm>>) dst(%dma_wait3A_92 : memref<128x64xf32, #tpu.memory_space<vmem>>)
    %scan3A = arith.constant 0 : i32
    %scan3A_99 = arith.constant 0 : i32
    %scan3A_100 = arith.constant 32 : i32
    %scan3A_101 = arith.addi %scan3A_99, %scan3A_100 : i32
    %scan3A_102 = arith.constant 1 : i32
    scf.for %scan3A_106 = %scan3A_99 to %scan3A_101 step %scan3A_102  : i32 {
      %mul3A_107 = arith.constant 20 : i32
      %mul3A_108 = arith.muli %scan3A_106, %mul3A_107 : i32
      %broadcast_in_dim3A = arith.constant 0.000000e+00 : f32
      %broadcast_in_dim3A_109 = vector.broadcast %broadcast_in_dim3A : f32 to vector<16xf32>
      %broadcast_in_dim3A_110 = arith.constant 0.000000e+00 : f32
      %broadcast_in_dim3A_111 = vector.broadcast %broadcast_in_dim3A_110 : f32 to vector<16xf32>
      %broadcast_in_dim3A_112 = arith.constant 0.000000e+00 : f32
      %broadcast_in_dim3A_113 = vector.broadcast %broadcast_in_dim3A_112 : f32 to vector<16xf32>
      %broadcast_in_dim3A_114 = arith.constant 0.000000e+00 : f32
      %broadcast_in_dim3A_115 = vector.broadcast %broadcast_in_dim3A_114 : f32 to vector<16xf32>
      %add3A_116 = arith.constant 0 : i32
      %add3A_117 = arith.addi %mul3A_108, %add3A_116 : i32
      %get3A = arith.index_cast %add3A_117 : i32 to index
      %get3A_118 = arith.constant 0 : index
      %get3A_119 = tpu.vector_load %arg6[%get3A, %get3A_118] {strides = array<i32>} : memref<640x64xf32, #tpu.memory_space<vmem>>, vector<16xf32>,
      %add3A_120 = arith.addf %broadcast_in_dim3A_109, %get3A_119 : vector<16xf32>
      %add3A_121 = arith.constant 0 : i32
      %add3A_122 = arith.addi %mul3A_108, %add3A_121 : i32
      %get3A_123 = arith.index_cast %add3A_122 : i32 to index
      %get3A_124 = arith.constant 16 : index
      %get3A_125 = tpu.vector_load %arg6[%get3A_123, %get3A_124] {strides = array<i32>} : memref<640x64xf32, #tpu.memory_space<vmem>>, vector<16xf32>,
      %add3A_126 = arith.addf %broadcast_in_dim3A_111, %get3A_125 : vector<16xf32>
      %add3A_127 = arith.constant 0 : i32
      %add3A_128 = arith.addi %mul3A_108, %add3A_127 : i32
      %get3A_129 = arith.index_cast %add3A_128 : i32 to index
      %get3A_130 = arith.constant 32 : index
      %get3A_131 = tpu.vector_load %arg6[%get3A_129, %get3A_130] {strides = array<i32>} : memref<640x64xf32, #tpu.memory_space<vmem>>, vector<16xf32>,
      %add3A_132 = arith.addf %broadcast_in_dim3A_113, %get3A_131 : vector<16xf32>
      %add3A_133 = arith.constant 0 : i32
      %add3A_134 = arith.addi %mul3A_108, %add3A_133 : i32
      %get3A_135 = arith.index_cast %add3A_134 : i32 to index
      %get3A_136 = arith.constant 48 : index
      %get3A_137 = tpu.vector_load %arg6[%get3A_135, %get3A_136] {strides = array<i32>} : memref<640x64xf32, #tpu.memory_space<vmem>>, vector<16xf32>,
      %add3A_138 = arith.addf %broadcast_in_dim3A_115, %get3A_137 : vector<16xf32>
      %add3A_139 = arith.constant 1 : i32
      %add3A_140 = arith.addi %mul3A_108, %add3A_139 : i32
      %get3A_141 = arith.index_cast %add3A_140 : i32 to index
      %get3A_142 = arith.constant 0 : index
      %get3A_143 = tpu.vector_load %arg6[%get3A_141, %get3A_142] {strides = array<i32>} : memref<640x64xf32, #tpu.memory_space<vmem>>, vector<16xf32>,
      %add3A_144 = arith.addf %add3A_120, %get3A_143 : vector<16xf32>
      %add3A_145 = arith.constant 1 : i32
      %add3A_146 = arith.addi %mul3A_108, %add3A_145 : i32
      %get3A_147 = arith.index_cast %add3A_146 : i32 to index
      %get3A_148 = arith.constant 16 : index
      %get3A_149 = tpu.vector_load %arg6[%get3A_147, %get3A_148] {strides = array<i32>} : memref<640x64xf32, #tpu.memory_space<vmem>>, vector<16xf32>,
      %add3A_150 = arith.addf %add3A_126, %get3A_149 : vector<16xf32>
      %add3A_151 = arith.constant 1 : i32
      %add3A_152 = arith.addi %mul3A_108, %add3A_151 : i32
      %get3A_153 = arith.index_cast %add3A_152 : i32 to index
      %get3A_154 = arith.constant 32 : index
      %get3A_155 = tpu.vector_load %arg6[%get3A_153, %get3A_154] {strides = array<i32>} : memref<640x64xf32, #tpu.memory_space<vmem>>, vector<16xf32>,
      %add3A_156 = arith.addf %add3A_132, %get3A_155 : vector<16xf32>
      %add3A_157 = arith.constant 1 : i32
      %add3A_158 = arith.addi %mul3A_108, %add3A_157 : i32
      %get3A_159 = arith.index_cast %add3A_158 : i32 to index
      %get3A_160 = arith.constant 48 : index
      %get3A_161 = tpu.vector_load %arg6[%get3A_159, %get3A_160] {strides = array<i32>} : memref<640x64xf32, #tpu.memory_space<vmem>>, vector<16xf32>,
      %add3A_162 = arith.addf %add3A_138, %get3A_161 : vector<16xf32>
      %add3A_163 = arith.constant 2 : i32
      %add3A_164 = arith.addi %mul3A_108, %add3A_163 : i32
      %get3A_165 = arith.index_cast %add3A_164 : i32 to index
      %get3A_166 = arith.constant 0 : index
      %get3A_167 = tpu.vector_load %arg6[%get3A_165, %get3A_166] {strides = array<i32>} : memref<640x64xf32, #tpu.memory_space<vmem>>, vector<16xf32>,
      %add3A_168 = arith.addf %add3A_144, %get3A_167 : vector<16xf32>
      %add3A_169 = arith.constant 2 : i32
      %add3A_170 = arith.addi %mul3A_108, %add3A_169 : i32
      %get3A_171 = arith.index_cast %add3A_170 : i32 to index
      %get3A_172 = arith.constant 16 : index
      %get3A_173 = tpu.vector_load %arg6[%get3A_171, %get3A_172] {strides = array<i32>} : memref<640x64xf32, #tpu.memory_space<vmem>>, vector<16xf32>,
      %add3A_174 = arith.addf %add3A_150, %get3A_173 : vector<16xf32>
      %add3A_175 = arith.constant 2 : i32
      %add3A_176 = arith.addi %mul3A_108, %add3A_175 : i32
      %get3A_177 = arith.index_cast %add3A_176 : i32 to index
      %get3A_178 = arith.constant 32 : index
      %get3A_179 = tpu.vector_load %arg6[%get3A_177, %get3A_178] {strides = array<i32>} : memref<640x64xf32, #tpu.memory_space<vmem>>, vector<16xf32>,
      %add3A_180 = arith.addf %add3A_156, %get3A_179 : vector<16xf32>
      %add3A_181 = arith.constant 2 : i32
      %add3A_182 = arith.addi %mul3A_108, %add3A_181 : i32
      %get3A_183 = arith.index_cast %add3A_182 : i32 to index
      %get3A_184 = arith.constant 48 : index
      %get3A_185 = tpu.vector_load %arg6[%get3A_183, %get3A_184] {strides = array<i32>} : memref<640x64xf32, #tpu.memory_space<vmem>>, vector<16xf32>,
      %add3A_186 = arith.addf %add3A_162, %get3A_185 : vector<16xf32>
      %add3A_187 = arith.constant 3 : i32
      %add3A_188 = arith.addi %mul3A_108, %add3A_187 : i32
      %get3A_189 = arith.index_cast %add3A_188 : i32 to index
      %get3A_190 = arith.constant 0 : index
      %get3A_191 = tpu.vector_load %arg6[%get3A_189, %get3A_190] {strides = array<i32>} : memref<640x64xf32, #tpu.memory_space<vmem>>, vector<16xf32>,
      %add3A_192 = arith.addf %add3A_168, %get3A_191 : vector<16xf32>
      %add3A_193 = arith.constant 3 : i32
      %add3A_194 = arith.addi %mul3A_108, %add3A_193 : i32
      %get3A_195 = arith.index_cast %add3A_194 : i32 to index
      %get3A_196 = arith.constant 16 : index
      %get3A_197 = tpu.vector_load %arg6[%get3A_195, %get3A_196] {strides = array<i32>} : memref<640x64xf32, #tpu.memory_space<vmem>>, vector<16xf32>,
      %add3A_198 = arith.addf %add3A_174, %get3A_197 : vector<16xf32>
      %add3A_199 = arith.constant 3 : i32
      %add3A_200 = arith.addi %mul3A_108, %add3A_199 : i32
      %get3A_201 = arith.index_cast %add3A_200 : i32 to index
      %get3A_202 = arith.constant 32 : index
      %get3A_203 = tpu.vector_load %arg6[%get3A_201, %get3A_202] {strides = array<i32>} : memref<640x64xf32, #tpu.memory_space<vmem>>, vector<16xf32>,
      %add3A_204 = arith.addf %add3A_180, %get3A_203 : vector<16xf32>
      %add3A_205 = arith.constant 3 : i32
      %add3A_206 = arith.addi %mul3A_108, %add3A_205 : i32
      %get3A_207 = arith.index_cast %add3A_206 : i32 to index
      %get3A_208 = arith.constant 48 : index
      %get3A_209 = tpu.vector_load %arg6[%get3A_207, %get3A_208] {strides = array<i32>} : memref<640x64xf32, #tpu.memory_space<vmem>>, vector<16xf32>,
      %add3A_210 = arith.addf %add3A_186, %get3A_209 : vector<16xf32>
      %add3A_211 = arith.constant 4 : i32
      %add3A_212 = arith.addi %mul3A_108, %add3A_211 : i32
      %get3A_213 = arith.index_cast %add3A_212 : i32 to index
      %get3A_214 = arith.constant 0 : index
      %get3A_215 = tpu.vector_load %arg6[%get3A_213, %get3A_214] {strides = array<i32>} : memref<640x64xf32, #tpu.memory_space<vmem>>, vector<16xf32>,
      %add3A_216 = arith.addf %add3A_192, %get3A_215 : vector<16xf32>
      %add3A_217 = arith.constant 4 : i32
      %add3A_218 = arith.addi %mul3A_108, %add3A_217 : i32
      %get3A_219 = arith.index_cast %add3A_218 : i32 to index
      %get3A_220 = arith.constant 16 : index
      %get3A_221 = tpu.vector_load %arg6[%get3A_219, %get3A_220] {strides = array<i32>} : memref<640x64xf32, #tpu.memory_space<vmem>>, vector<16xf32>,
      %add3A_222 = arith.addf %add3A_198, %get3A_221 : vector<16xf32>
      %add3A_223 = arith.constant 4 : i32
      %add3A_224 = arith.addi %mul3A_108, %add3A_223 : i32
      %get3A_225 = arith.index_cast %add3A_224 : i32 to index
      %get3A_226 = arith.constant 32 : index
      %get3A_227 = tpu.vector_load %arg6[%get3A_225, %get3A_226] {strides = array<i32>} : memref<640x64xf32, #tpu.memory_space<vmem>>, vector<16xf32>,
      %add3A_228 = arith.addf %add3A_204, %get3A_227 : vector<16xf32>
      %add3A_229 = arith.constant 4 : i32
      %add3A_230 = arith.addi %mul3A_108, %add3A_229 : i32
      %get3A_231 = arith.index_cast %add3A_230 : i32 to index
      %get3A_232 = arith.constant 48 : index
      %get3A_233 = tpu.vector_load %arg6[%get3A_231, %get3A_232] {strides = array<i32>} : memref<640x64xf32, #tpu.memory_space<vmem>>, vector<16xf32>,
      %add3A_234 = arith.addf %add3A_210, %get3A_233 : vector<16xf32>
      %add3A_235 = arith.constant 5 : i32
      %add3A_236 = arith.addi %mul3A_108, %add3A_235 : i32
      %get3A_237 = arith.index_cast %add3A_236 : i32 to index
      %get3A_238 = arith.constant 0 : index
      %get3A_239 = tpu.vector_load %arg6[%get3A_237, %get3A_238] {strides = array<i32>} : memref<640x64xf32, #tpu.memory_space<vmem>>, vector<16xf32>,
      %add3A_240 = arith.addf %add3A_216, %get3A_239 : vector<16xf32>
      %add3A_241 = arith.constant 5 : i32
      %add3A_242 = arith.addi %mul3A_108, %add3A_241 : i32
      %get3A_243 = arith.index_cast %add3A_242 : i32 to index
      %get3A_244 = arith.constant 16 : index
      %get3A_245 = tpu.vector_load %arg6[%get3A_243, %get3A_244] {strides = array<i32>} : memref<640x64xf32, #tpu.memory_space<vmem>>, vector<16xf32>,
      %add3A_246 = arith.addf %add3A_222, %get3A_245 : vector<16xf32>
      %add3A_247 = arith.constant 5 : i32
      %add3A_248 = arith.addi %mul3A_108, %add3A_247 : i32
      %get3A_249 = arith.index_cast %add3A_248 : i32 to index
      %get3A_250 = arith.constant 32 : index
      %get3A_251 = tpu.vector_load %arg6[%get3A_249, %get3A_250] {strides = array<i32>} : memref<640x64xf32, #tpu.memory_space<vmem>>, vector<16xf32>,
      %add3A_252 = arith.addf %add3A_228, %get3A_251 : vector<16xf32>
      %add3A_253 = arith.constant 5 : i32
      %add3A_254 = arith.addi %mul3A_108, %add3A_253 : i32
      %get3A_255 = arith.index_cast %add3A_254 : i32 to index
      %get3A_256 = arith.constant 48 : index
      %get3A_257 = tpu.vector_load %arg6[%get3A_255, %get3A_256] {strides = array<i32>} : memref<640x64xf32, #tpu.memory_space<vmem>>, vector<16xf32>,
      %add3A_258 = arith.addf %add3A_234, %get3A_257 : vector<16xf32>
      %add3A_259 = arith.constant 6 : i32
      %add3A_260 = arith.addi %mul3A_108, %add3A_259 : i32
      %get3A_261 = arith.index_cast %add3A_260 : i32 to index
      %get3A_262 = arith.constant 0 : index
      %get3A_263 = tpu.vector_load %arg6[%get3A_261, %get3A_262] {strides = array<i32>} : memref<640x64xf32, #tpu.memory_space<vmem>>, vector<16xf32>,
      %add3A_264 = arith.addf %add3A_240, %get3A_263 : vector<16xf32>
      %add3A_265 = arith.constant 6 : i32
      %add3A_266 = arith.addi %mul3A_108, %add3A_265 : i32
      %get3A_267 = arith.index_cast %add3A_266 : i32 to index
      %get3A_268 = arith.constant 16 : index
      %get3A_269 = tpu.vector_load %arg6[%get3A_267, %get3A_268] {strides = array<i32>} : memref<640x64xf32, #tpu.memory_space<vmem>>, vector<16xf32>,
      %add3A_270 = arith.addf %add3A_246, %get3A_269 : vector<16xf32>
      %add3A_271 = arith.constant 6 : i32
      %add3A_272 = arith.addi %mul3A_108, %add3A_271 : i32
      %get3A_273 = arith.index_cast %add3A_272 : i32 to index
      %get3A_274 = arith.constant 32 : index
      %get3A_275 = tpu.vector_load %arg6[%get3A_273, %get3A_274] {strides = array<i32>} : memref<640x64xf32, #tpu.memory_space<vmem>>, vector<16xf32>,
      %add3A_276 = arith.addf %add3A_252, %get3A_275 : vector<16xf32>
      %add3A_277 = arith.constant 6 : i32
      %add3A_278 = arith.addi %mul3A_108, %add3A_277 : i32
      %get3A_279 = arith.index_cast %add3A_278 : i32 to index
      %get3A_280 = arith.constant 48 : index
      %get3A_281 = tpu.vector_load %arg6[%get3A_279, %get3A_280] {strides = array<i32>} : memref<640x64xf32, #tpu.memory_space<vmem>>, vector<16xf32>,
      %add3A_282 = arith.addf %add3A_258, %get3A_281 : vector<16xf32>
      %add3A_283 = arith.constant 7 : i32
      %add3A_284 = arith.addi %mul3A_108, %add3A_283 : i32
      %get3A_285 = arith.index_cast %add3A_284 : i32 to index
      %get3A_286 = arith.constant 0 : index
      %get3A_287 = tpu.vector_load %arg6[%get3A_285, %get3A_286] {strides = array<i32>} : memref<640x64xf32, #tpu.memory_space<vmem>>, vector<16xf32>,
      %add3A_288 = arith.addf %add3A_264, %get3A_287 : vector<16xf32>
      %add3A_289 = arith.constant 7 : i32
      %add3A_290 = arith.addi %mul3A_108, %add3A_289 : i32
      %get3A_291 = arith.index_cast %add3A_290 : i32 to index
      %get3A_292 = arith.constant 16 : index
      %get3A_293 = tpu.vector_load %arg6[%get3A_291, %get3A_292] {strides = array<i32>} : memref<640x64xf32, #tpu.memory_space<vmem>>, vector<16xf32>,
      %add3A_294 = arith.addf %add3A_270, %get3A_293 : vector<16xf32>
      %add3A_295 = arith.constant 7 : i32
      %add3A_296 = arith.addi %mul3A_108, %add3A_295 : i32
      %get3A_297 = arith.index_cast %add3A_296 : i32 to index
      %get3A_298 = arith.constant 32 : index
      %get3A_299 = tpu.vector_load %arg6[%get3A_297, %get3A_298] {strides = array<i32>} : memref<640x64xf32, #tpu.memory_space<vmem>>, vector<16xf32>,
      %add3A_300 = arith.addf %add3A_276, %get3A_299 : vector<16xf32>
      %add3A_301 = arith.constant 7 : i32
      %add3A_302 = arith.addi %mul3A_108, %add3A_301 : i32
      %get3A_303 = arith.index_cast %add3A_302 : i32 to index
      %get3A_304 = arith.constant 48 : index
      %get3A_305 = tpu.vector_load %arg6[%get3A_303, %get3A_304] {strides = array<i32>} : memref<640x64xf32, #tpu.memory_space<vmem>>, vector<16xf32>,
      %add3A_306 = arith.addf %add3A_282, %get3A_305 : vector<16xf32>
      %add3A_307 = arith.constant 8 : i32
      %add3A_308 = arith.addi %mul3A_108, %add3A_307 : i32
      %get3A_309 = arith.index_cast %add3A_308 : i32 to index
      %get3A_310 = arith.constant 0 : index
      %get3A_311 = tpu.vector_load %arg6[%get3A_309, %get3A_310] {strides = array<i32>} : memref<640x64xf32, #tpu.memory_space<vmem>>, vector<16xf32>,
      %add3A_312 = arith.addf %add3A_288, %get3A_311 : vector<16xf32>
      %add3A_313 = arith.constant 8 : i32
      %add3A_314 = arith.addi %mul3A_108, %add3A_313 : i32
      %get3A_315 = arith.index_cast %add3A_314 : i32 to index
      %get3A_316 = arith.constant 16 : index
      %get3A_317 = tpu.vector_load %arg6[%get3A_315, %get3A_316] {strides = array<i32>} : memref<640x64xf32, #tpu.memory_space<vmem>>, vector<16xf32>,
      %add3A_318 = arith.addf %add3A_294, %get3A_317 : vector<16xf32>
      %add3A_319 = arith.constant 8 : i32
      %add3A_320 = arith.addi %mul3A_108, %add3A_319 : i32
      %get3A_321 = arith.index_cast %add3A_320 : i32 to index
      %get3A_322 = arith.constant 32 : index
      %get3A_323 = tpu.vector_load %arg6[%get3A_321, %get3A_322] {strides = array<i32>} : memref<640x64xf32, #tpu.memory_space<vmem>>, vector<16xf32>,
      %add3A_324 = arith.addf %add3A_300, %get3A_323 : vector<16xf32>
      %add3A_325 = arith.constant 8 : i32
      %add3A_326 = arith.addi %mul3A_108, %add3A_325 : i32
      %get3A_327 = arith.index_cast %add3A_326 : i32 to index
      %get3A_328 = arith.constant 48 : index
      %get3A_329 = tpu.vector_load %arg6[%get3A_327, %get3A_328] {strides = array<i32>} : memref<640x64xf32, #tpu.memory_space<vmem>>, vector<16xf32>,
      %add3A_330 = arith.addf %add3A_306, %get3A_329 : vector<16xf32>
      %add3A_331 = arith.constant 9 : i32
      %add3A_332 = arith.addi %mul3A_108, %add3A_331 : i32
      %get3A_333 = arith.index_cast %add3A_332 : i32 to index
      %get3A_334 = arith.constant 0 : index
      %get3A_335 = tpu.vector_load %arg6[%get3A_333, %get3A_334] {strides = array<i32>} : memref<640x64xf32, #tpu.memory_space<vmem>>, vector<16xf32>,
      %add3A_336 = arith.addf %add3A_312, %get3A_335 : vector<16xf32>
      %add3A_337 = arith.constant 9 : i32
      %add3A_338 = arith.addi %mul3A_108, %add3A_337 : i32
      %get3A_339 = arith.index_cast %add3A_338 : i32 to index
      %get3A_340 = arith.constant 16 : index
      %get3A_341 = tpu.vector_load %arg6[%get3A_339, %get3A_340] {strides = array<i32>} : memref<640x64xf32, #tpu.memory_space<vmem>>, vector<16xf32>,
      %add3A_342 = arith.addf %add3A_318, %get3A_341 : vector<16xf32>
      %add3A_343 = arith.constant 9 : i32
      %add3A_344 = arith.addi %mul3A_108, %add3A_343 : i32
      %get3A_345 = arith.index_cast %add3A_344 : i32 to index
      %get3A_346 = arith.constant 32 : index
      %get3A_347 = tpu.vector_load %arg6[%get3A_345, %get3A_346] {strides = array<i32>} : memref<640x64xf32, #tpu.memory_space<vmem>>, vector<16xf32>,
      %add3A_348 = arith.addf %add3A_324, %get3A_347 : vector<16xf32>
      %add3A_349 = arith.constant 9 : i32
      %add3A_350 = arith.addi %mul3A_108, %add3A_349 : i32
      %get3A_351 = arith.index_cast %add3A_350 : i32 to index
      %get3A_352 = arith.constant 48 : index
      %get3A_353 = tpu.vector_load %arg6[%get3A_351, %get3A_352] {strides = array<i32>} : memref<640x64xf32, #tpu.memory_space<vmem>>, vector<16xf32>,
      %add3A_354 = arith.addf %add3A_330, %get3A_353 : vector<16xf32>
      %add3A_355 = arith.constant 10 : i32
      %add3A_356 = arith.addi %mul3A_108, %add3A_355 : i32
      %get3A_357 = arith.index_cast %add3A_356 : i32 to index
      %get3A_358 = arith.constant 0 : index
      %get3A_359 = tpu.vector_load %arg6[%get3A_357, %get3A_358] {strides = array<i32>} : memref<640x64xf32, #tpu.memory_space<vmem>>, vector<16xf32>,
      %add3A_360 = arith.addf %add3A_336, %get3A_359 : vector<16xf32>
      %add3A_361 = arith.constant 10 : i32
      %add3A_362 = arith.addi %mul3A_108, %add3A_361 : i32
      %get3A_363 = arith.index_cast %add3A_362 : i32 to index
      %get3A_364 = arith.constant 16 : index
      %get3A_365 = tpu.vector_load %arg6[%get3A_363, %get3A_364] {strides = array<i32>} : memref<640x64xf32, #tpu.memory_space<vmem>>, vector<16xf32>,
      %add3A_366 = arith.addf %add3A_342, %get3A_365 : vector<16xf32>
      %add3A_367 = arith.constant 10 : i32
      %add3A_368 = arith.addi %mul3A_108, %add3A_367 : i32
      %get3A_369 = arith.index_cast %add3A_368 : i32 to index
      %get3A_370 = arith.constant 32 : index
      %get3A_371 = tpu.vector_load %arg6[%get3A_369, %get3A_370] {strides = array<i32>} : memref<640x64xf32, #tpu.memory_space<vmem>>, vector<16xf32>,
      %add3A_372 = arith.addf %add3A_348, %get3A_371 : vector<16xf32>
      %add3A_373 = arith.constant 10 : i32
      %add3A_374 = arith.addi %mul3A_108, %add3A_373 : i32
      %get3A_375 = arith.index_cast %add3A_374 : i32 to index
      %get3A_376 = arith.constant 48 : index
      %get3A_377 = tpu.vector_load %arg6[%get3A_375, %get3A_376] {strides = array<i32>} : memref<640x64xf32, #tpu.memory_space<vmem>>, vector<16xf32>,
      %add3A_378 = arith.addf %add3A_354, %get3A_377 : vector<16xf32>
      %add3A_379 = arith.constant 11 : i32
      %add3A_380 = arith.addi %mul3A_108, %add3A_379 : i32
      %get3A_381 = arith.index_cast %add3A_380 : i32 to index
      %get3A_382 = arith.constant 0 : index
      %get3A_383 = tpu.vector_load %arg6[%get3A_381, %get3A_382] {strides = array<i32>} : memref<640x64xf32, #tpu.memory_space<vmem>>, vector<16xf32>,
      %add3A_384 = arith.addf %add3A_360, %get3A_383 : vector<16xf32>
      %add3A_385 = arith.constant 11 : i32
      %add3A_386 = arith.addi %mul3A_108, %add3A_385 : i32
      %get3A_387 = arith.index_cast %add3A_386 : i32 to index
      %get3A_388 = arith.constant 16 : index
      %get3A_389 = tpu.vector_load %arg6[%get3A_387, %get3A_388] {strides = array<i32>} : memref<640x64xf32, #tpu.memory_space<vmem>>, vector<16xf32>,
      %add3A_390 = arith.addf %add3A_366, %get3A_389 : vector<16xf32>
      %add3A_391 = arith.constant 11 : i32
      %add3A_392 = arith.addi %mul3A_108, %add3A_391 : i32
      %get3A_393 = arith.index_cast %add3A_392 : i32 to index
      %get3A_394 = arith.constant 32 : index
      %get3A_395 = tpu.vector_load %arg6[%get3A_393, %get3A_394] {strides = array<i32>} : memref<640x64xf32, #tpu.memory_space<vmem>>, vector<16xf32>,
      %add3A_396 = arith.addf %add3A_372, %get3A_395 : vector<16xf32>
      %add3A_397 = arith.constant 11 : i32
      %add3A_398 = arith.addi %mul3A_108, %add3A_397 : i32
      %get3A_399 = arith.index_cast %add3A_398 : i32 to index
      %get3A_400 = arith.constant 48 : index
      %get3A_401 = tpu.vector_load %arg6[%get3A_399, %get3A_400] {strides = array<i32>} : memref<640x64xf32, #tpu.memory_space<vmem>>, vector<16xf32>,
      %add3A_402 = arith.addf %add3A_378, %get3A_401 : vector<16xf32>
      %add3A_403 = arith.constant 12 : i32
      %add3A_404 = arith.addi %mul3A_108, %add3A_403 : i32
      %get3A_405 = arith.index_cast %add3A_404 : i32 to index
      %get3A_406 = arith.constant 0 : index
      %get3A_407 = tpu.vector_load %arg6[%get3A_405, %get3A_406] {strides = array<i32>} : memref<640x64xf32, #tpu.memory_space<vmem>>, vector<16xf32>,
      %add3A_408 = arith.addf %add3A_384, %get3A_407 : vector<16xf32>
      %add3A_409 = arith.constant 12 : i32
      %add3A_410 = arith.addi %mul3A_108, %add3A_409 : i32
      %get3A_411 = arith.index_cast %add3A_410 : i32 to index
      %get3A_412 = arith.constant 16 : index
      %get3A_413 = tpu.vector_load %arg6[%get3A_411, %get3A_412] {strides = array<i32>} : memref<640x64xf32, #tpu.memory_space<vmem>>, vector<16xf32>,
      %add3A_414 = arith.addf %add3A_390, %get3A_413 : vector<16xf32>
      %add3A_415 = arith.constant 12 : i32
      %add3A_416 = arith.addi %mul3A_108, %add3A_415 : i32
      %get3A_417 = arith.index_cast %add3A_416 : i32 to index
      %get3A_418 = arith.constant 32 : index
      %get3A_419 = tpu.vector_load %arg6[%get3A_417, %get3A_418] {strides = array<i32>} : memref<640x64xf32, #tpu.memory_space<vmem>>, vector<16xf32>,
      %add3A_420 = arith.addf %add3A_396, %get3A_419 : vector<16xf32>
      %add3A_421 = arith.constant 12 : i32
      %add3A_422 = arith.addi %mul3A_108, %add3A_421 : i32
      %get3A_423 = arith.index_cast %add3A_422 : i32 to index
      %get3A_424 = arith.constant 48 : index
      %get3A_425 = tpu.vector_load %arg6[%get3A_423, %get3A_424] {strides = array<i32>} : memref<640x64xf32, #tpu.memory_space<vmem>>, vector<16xf32>,
      %add3A_426 = arith.addf %add3A_402, %get3A_425 : vector<16xf32>
      %add3A_427 = arith.constant 13 : i32
      %add3A_428 = arith.addi %mul3A_108, %add3A_427 : i32
      %get3A_429 = arith.index_cast %add3A_428 : i32 to index
      %get3A_430 = arith.constant 0 : index
      %get3A_431 = tpu.vector_load %arg6[%get3A_429, %get3A_430] {strides = array<i32>} : memref<640x64xf32, #tpu.memory_space<vmem>>, vector<16xf32>,
      %add3A_432 = arith.addf %add3A_408, %get3A_431 : vector<16xf32>
      %add3A_433 = arith.constant 13 : i32
      %add3A_434 = arith.addi %mul3A_108, %add3A_433 : i32
      %get3A_435 = arith.index_cast %add3A_434 : i32 to index
      %get3A_436 = arith.constant 16 : index
      %get3A_437 = tpu.vector_load %arg6[%get3A_435, %get3A_436] {strides = array<i32>} : memref<640x64xf32, #tpu.memory_space<vmem>>, vector<16xf32>,
      %add3A_438 = arith.addf %add3A_414, %get3A_437 : vector<16xf32>
      %add3A_439 = arith.constant 13 : i32
      %add3A_440 = arith.addi %mul3A_108, %add3A_439 : i32
      %get3A_441 = arith.index_cast %add3A_440 : i32 to index
      %get3A_442 = arith.constant 32 : index
      %get3A_443 = tpu.vector_load %arg6[%get3A_441, %get3A_442] {strides = array<i32>} : memref<640x64xf32, #tpu.memory_space<vmem>>, vector<16xf32>,
      %add3A_444 = arith.addf %add3A_420, %get3A_443 : vector<16xf32>
      %add3A_445 = arith.constant 13 : i32
      %add3A_446 = arith.addi %mul3A_108, %add3A_445 : i32
      %get3A_447 = arith.index_cast %add3A_446 : i32 to index
      %get3A_448 = arith.constant 48 : index
      %get3A_449 = tpu.vector_load %arg6[%get3A_447, %get3A_448] {strides = array<i32>} : memref<640x64xf32, #tpu.memory_space<vmem>>, vector<16xf32>,
      %add3A_450 = arith.addf %add3A_426, %get3A_449 : vector<16xf32>
      %add3A_451 = arith.constant 14 : i32
      %add3A_452 = arith.addi %mul3A_108, %add3A_451 : i32
      %get3A_453 = arith.index_cast %add3A_452 : i32 to index
      %get3A_454 = arith.constant 0 : index
      %get3A_455 = tpu.vector_load %arg6[%get3A_453, %get3A_454] {strides = array<i32>} : memref<640x64xf32, #tpu.memory_space<vmem>>, vector<16xf32>,
      %add3A_456 = arith.addf %add3A_432, %get3A_455 : vector<16xf32>
      %add3A_457 = arith.constant 14 : i32
      %add3A_458 = arith.addi %mul3A_108, %add3A_457 : i32
      %get3A_459 = arith.index_cast %add3A_458 : i32 to index
      %get3A_460 = arith.constant 16 : index
      %get3A_461 = tpu.vector_load %arg6[%get3A_459, %get3A_460] {strides = array<i32>} : memref<640x64xf32, #tpu.memory_space<vmem>>, vector<16xf32>,
      %add3A_462 = arith.addf %add3A_438, %get3A_461 : vector<16xf32>
      %add3A_463 = arith.constant 14 : i32
      %add3A_464 = arith.addi %mul3A_108, %add3A_463 : i32
      %get3A_465 = arith.index_cast %add3A_464 : i32 to index
      %get3A_466 = arith.constant 32 : index
      %get3A_467 = tpu.vector_load %arg6[%get3A_465, %get3A_466] {strides = array<i32>} : memref<640x64xf32, #tpu.memory_space<vmem>>, vector<16xf32>,
      %add3A_468 = arith.addf %add3A_444, %get3A_467 : vector<16xf32>
      %add3A_469 = arith.constant 14 : i32
      %add3A_470 = arith.addi %mul3A_108, %add3A_469 : i32
      %get3A_471 = arith.index_cast %add3A_470 : i32 to index
      %get3A_472 = arith.constant 48 : index
      %get3A_473 = tpu.vector_load %arg6[%get3A_471, %get3A_472] {strides = array<i32>} : memref<640x64xf32, #tpu.memory_space<vmem>>, vector<16xf32>,
      %add3A_474 = arith.addf %add3A_450, %get3A_473 : vector<16xf32>
      %add3A_475 = arith.constant 15 : i32
      %add3A_476 = arith.addi %mul3A_108, %add3A_475 : i32
      %get3A_477 = arith.index_cast %add3A_476 : i32 to index
      %get3A_478 = arith.constant 0 : index
      %get3A_479 = tpu.vector_load %arg6[%get3A_477, %get3A_478] {strides = array<i32>} : memref<640x64xf32, #tpu.memory_space<vmem>>, vector<16xf32>,
      %add3A_480 = arith.addf %add3A_456, %get3A_479 : vector<16xf32>
      %add3A_481 = arith.constant 15 : i32
      %add3A_482 = arith.addi %mul3A_108, %add3A_481 : i32
      %get3A_483 = arith.index_cast %add3A_482 : i32 to index
      %get3A_484 = arith.constant 16 : index
      %get3A_485 = tpu.vector_load %arg6[%get3A_483, %get3A_484] {strides = array<i32>} : memref<640x64xf32, #tpu.memory_space<vmem>>, vector<16xf32>,
      %add3A_486 = arith.addf %add3A_462, %get3A_485 : vector<16xf32>
      %add3A_487 = arith.constant 15 : i32
      %add3A_488 = arith.addi %mul3A_108, %add3A_487 : i32
      %get3A_489 = arith.index_cast %add3A_488 : i32 to index
      %get3A_490 = arith.constant 32 : index
      %get3A_491 = tpu.vector_load %arg6[%get3A_489, %get3A_490] {strides = array<i32>} : memref<640x64xf32, #tpu.memory_space<vmem>>, vector<16xf32>,
      %add3A_492 = arith.addf %add3A_468, %get3A_491 : vector<16xf32>
      %add3A_493 = arith.constant 15 : i32
      %add3A_494 = arith.addi %mul3A_108, %add3A_493 : i32
      %get3A_495 = arith.index_cast %add3A_494 : i32 to index
      %get3A_496 = arith.constant 48 : index
      %get3A_497 = tpu.vector_load %arg6[%get3A_495, %get3A_496] {strides = array<i32>} : memref<640x64xf32, #tpu.memory_space<vmem>>, vector<16xf32>,
      %add3A_498 = arith.addf %add3A_474, %get3A_497 : vector<16xf32>
      %add3A_499 = arith.constant 16 : i32
      %add3A_500 = arith.addi %mul3A_108, %add3A_499 : i32
      %get3A_501 = arith.index_cast %add3A_500 : i32 to index
      %get3A_502 = arith.constant 0 : index
      %get3A_503 = tpu.vector_load %arg6[%get3A_501, %get3A_502] {strides = array<i32>} : memref<640x64xf32, #tpu.memory_space<vmem>>, vector<16xf32>,
      %add3A_504 = arith.addf %add3A_480, %get3A_503 : vector<16xf32>
      %add3A_505 = arith.constant 16 : i32
      %add3A_506 = arith.addi %mul3A_108, %add3A_505 : i32
      %get3A_507 = arith.index_cast %add3A_506 : i32 to index
      %get3A_508 = arith.constant 16 : index
      %get3A_509 = tpu.vector_load %arg6[%get3A_507, %get3A_508] {strides = array<i32>} : memref<640x64xf32, #tpu.memory_space<vmem>>, vector<16xf32>,
      %add3A_510 = arith.addf %add3A_486, %get3A_509 : vector<16xf32>
      %add3A_511 = arith.constant 16 : i32
      %add3A_512 = arith.addi %mul3A_108, %add3A_511 : i32
      %get3A_513 = arith.index_cast %add3A_512 : i32 to index
      %get3A_514 = arith.constant 32 : index
      %get3A_515 = tpu.vector_load %arg6[%get3A_513, %get3A_514] {strides = array<i32>} : memref<640x64xf32, #tpu.memory_space<vmem>>, vector<16xf32>,
      %add3A_516 = arith.addf %add3A_492, %get3A_515 : vector<16xf32>
      %add3A_517 = arith.constant 16 : i32
      %add3A_518 = arith.addi %mul3A_108, %add3A_517 : i32
      %get3A_519 = arith.index_cast %add3A_518 : i32 to index
      %get3A_520 = arith.constant 48 : index
      %get3A_521 = tpu.vector_load %arg6[%get3A_519, %get3A_520] {strides = array<i32>} : memref<640x64xf32, #tpu.memory_space<vmem>>, vector<16xf32>,
      %add3A_522 = arith.addf %add3A_498, %get3A_521 : vector<16xf32>
      %add3A_523 = arith.constant 17 : i32
      %add3A_524 = arith.addi %mul3A_108, %add3A_523 : i32
      %get3A_525 = arith.index_cast %add3A_524 : i32 to index
      %get3A_526 = arith.constant 0 : index
      %get3A_527 = tpu.vector_load %arg6[%get3A_525, %get3A_526] {strides = array<i32>} : memref<640x64xf32, #tpu.memory_space<vmem>>, vector<16xf32>,
      %add3A_528 = arith.addf %add3A_504, %get3A_527 : vector<16xf32>
      %add3A_529 = arith.constant 17 : i32
      %add3A_530 = arith.addi %mul3A_108, %add3A_529 : i32
      %get3A_531 = arith.index_cast %add3A_530 : i32 to index
      %get3A_532 = arith.constant 16 : index
      %get3A_533 = tpu.vector_load %arg6[%get3A_531, %get3A_532] {strides = array<i32>} : memref<640x64xf32, #tpu.memory_space<vmem>>, vector<16xf32>,
      %add3A_534 = arith.addf %add3A_510, %get3A_533 : vector<16xf32>
      %add3A_535 = arith.constant 17 : i32
      %add3A_536 = arith.addi %mul3A_108, %add3A_535 : i32
      %get3A_537 = arith.index_cast %add3A_536 : i32 to index
      %get3A_538 = arith.constant 32 : index
      %get3A_539 = tpu.vector_load %arg6[%get3A_537, %get3A_538] {strides = array<i32>} : memref<640x64xf32, #tpu.memory_space<vmem>>, vector<16xf32>,
      %add3A_540 = arith.addf %add3A_516, %get3A_539 : vector<16xf32>
      %add3A_541 = arith.constant 17 : i32
      %add3A_542 = arith.addi %mul3A_108, %add3A_541 : i32
      %get3A_543 = arith.index_cast %add3A_542 : i32 to index
      %get3A_544 = arith.constant 48 : index
      %get3A_545 = tpu.vector_load %arg6[%get3A_543, %get3A_544] {strides = array<i32>} : memref<640x64xf32, #tpu.memory_space<vmem>>, vector<16xf32>,
      %add3A_546 = arith.addf %add3A_522, %get3A_545 : vector<16xf32>
      %add3A_547 = arith.constant 18 : i32
      %add3A_548 = arith.addi %mul3A_108, %add3A_547 : i32
      %get3A_549 = arith.index_cast %add3A_548 : i32 to index
      %get3A_550 = arith.constant 0 : index
      %get3A_551 = tpu.vector_load %arg6[%get3A_549, %get3A_550] {strides = array<i32>} : memref<640x64xf32, #tpu.memory_space<vmem>>, vector<16xf32>,
      %add3A_552 = arith.addf %add3A_528, %get3A_551 : vector<16xf32>
      %add3A_553 = arith.constant 18 : i32
      %add3A_554 = arith.addi %mul3A_108, %add3A_553 : i32
      %get3A_555 = arith.index_cast %add3A_554 : i32 to index
      %get3A_556 = arith.constant 16 : index
      %get3A_557 = tpu.vector_load %arg6[%get3A_555, %get3A_556] {strides = array<i32>} : memref<640x64xf32, #tpu.memory_space<vmem>>, vector<16xf32>,
      %add3A_558 = arith.addf %add3A_534, %get3A_557 : vector<16xf32>
      %add3A_559 = arith.constant 18 : i32
      %add3A_560 = arith.addi %mul3A_108, %add3A_559 : i32
      %get3A_561 = arith.index_cast %add3A_560 : i32 to index
      %get3A_562 = arith.constant 32 : index
      %get3A_563 = tpu.vector_load %arg6[%get3A_561, %get3A_562] {strides = array<i32>} : memref<640x64xf32, #tpu.memory_space<vmem>>, vector<16xf32>,
      %add3A_564 = arith.addf %add3A_540, %get3A_563 : vector<16xf32>
      %add3A_565 = arith.constant 18 : i32
      %add3A_566 = arith.addi %mul3A_108, %add3A_565 : i32
      %get3A_567 = arith.index_cast %add3A_566 : i32 to index
      %get3A_568 = arith.constant 48 : index
      %get3A_569 = tpu.vector_load %arg6[%get3A_567, %get3A_568] {strides = array<i32>} : memref<640x64xf32, #tpu.memory_space<vmem>>, vector<16xf32>,
      %add3A_570 = arith.addf %add3A_546, %get3A_569 : vector<16xf32>
      %add3A_571 = arith.constant 19 : i32
      %add3A_572 = arith.addi %mul3A_108, %add3A_571 : i32
      %get3A_573 = arith.index_cast %add3A_572 : i32 to index
      %get3A_574 = arith.constant 0 : index
      %get3A_575 = tpu.vector_load %arg6[%get3A_573, %get3A_574] {strides = array<i32>} : memref<640x64xf32, #tpu.memory_space<vmem>>, vector<16xf32>,
      %add3A_576 = arith.addf %add3A_552, %get3A_575 : vector<16xf32>
      %add3A_577 = arith.constant 19 : i32
      %add3A_578 = arith.addi %mul3A_108, %add3A_577 : i32
      %get3A_579 = arith.index_cast %add3A_578 : i32 to index
      %get3A_580 = arith.constant 16 : index
      %get3A_581 = tpu.vector_load %arg6[%get3A_579, %get3A_580] {strides = array<i32>} : memref<640x64xf32, #tpu.memory_space<vmem>>, vector<16xf32>,
      %add3A_582 = arith.addf %add3A_558, %get3A_581 : vector<16xf32>
      %add3A_583 = arith.constant 19 : i32
      %add3A_584 = arith.addi %mul3A_108, %add3A_583 : i32
      %get3A_585 = arith.index_cast %add3A_584 : i32 to index
      %get3A_586 = arith.constant 32 : index
      %get3A_587 = tpu.vector_load %arg6[%get3A_585, %get3A_586] {strides = array<i32>} : memref<640x64xf32, #tpu.memory_space<vmem>>, vector<16xf32>,
      %add3A_588 = arith.addf %add3A_564, %get3A_587 : vector<16xf32>
      %add3A_589 = arith.constant 19 : i32
      %add3A_590 = arith.addi %mul3A_108, %add3A_589 : i32
      %get3A_591 = arith.index_cast %add3A_590 : i32 to index
      %get3A_592 = arith.constant 48 : index
      %get3A_593 = tpu.vector_load %arg6[%get3A_591, %get3A_592] {strides = array<i32>} : memref<640x64xf32, #tpu.memory_space<vmem>>, vector<16xf32>,
      %add3A_594 = arith.addf %add3A_570, %get3A_593 : vector<16xf32>
      %mul3A_595 = arith.constant 5.000000e-02 : f32
      %mul3A_596 = vector.broadcast %mul3A_595 : f32 to vector<16xf32>
      %mul3A_597 = arith.mulf %add3A_576, %mul3A_596 : vector<16xf32>
      %swap3A = arith.index_cast %scan3A_106 : i32 to index
      %swap3A_598 = arith.constant 0 : index
      %swap3A_599 = tpu.vector_load %arg7[%swap3A, %swap3A_598] {strides = array<i32>} : memref<32x64xf32, #tpu.memory_space<vmem>>, vector<16xf32>,
      tpu.vector_store %arg7[%swap3A, %swap3A_598], %mul3A_597 {strides = array<i32>} : memref<32x64xf32, #tpu.memory_space<vmem>>, vector<16xf32>,
      %mul3A_600 = arith.constant 5.000000e-02 : f32
      %mul3A_601 = vector.broadcast %mul3A_600 : f32 to vector<16xf32>
      %mul3A_602 = arith.mulf %add3A_582, %mul3A_601 : vector<16xf32>
      %swap3A_603 = arith.index_cast %scan3A_106 : i32 to index
      %swap3A_604 = arith.constant 16 : index
      %swap3A_605 = tpu.vector_load %arg7[%swap3A_603, %swap3A_604] {strides = array<i32>} : memref<32x64xf32, #tpu.memory_space<vmem>>, vector<16xf32>,
      tpu.vector_store %arg7[%swap3A_603, %swap3A_604], %mul3A_602 {strides = array<i32>} : memref<32x64xf32, #tpu.memory_space<vmem>>, vector<16xf32>,
      %mul3A_606 = arith.constant 5.000000e-02 : f32
      %mul3A_607 = vector.broadcast %mul3A_606 : f32 to vector<16xf32>
      %mul3A_608 = arith.mulf %add3A_588, %mul3A_607 : vector<16xf32>
      %swap3A_609 = arith.index_cast %scan3A_106 : i32 to index
      %swap3A_610 = arith.constant 32 : index
      %swap3A_611 = tpu.vector_load %arg7[%swap3A_609, %swap3A_610] {strides = array<i32>} : memref<32x64xf32, #tpu.memory_space<vmem>>, vector<16xf32>,
      tpu.vector_store %arg7[%swap3A_609, %swap3A_610], %mul3A_608 {strides = array<i32>} : memref<32x64xf32, #tpu.memory_space<vmem>>, vector<16xf32>,
      %mul3A_612 = arith.constant 5.000000e-02 : f32
      %mul3A_613 = vector.broadcast %mul3A_612 : f32 to vector<16xf32>
      %mul3A_614 = arith.mulf %add3A_594, %mul3A_613 : vector<16xf32>
      %swap3A_615 = arith.index_cast %scan3A_106 : i32 to index
      %swap3A_616 = arith.constant 48 : index
      %swap3A_617 = tpu.vector_load %arg7[%swap3A_615, %swap3A_616] {strides = array<i32>} : memref<32x64xf32, #tpu.memory_space<vmem>>, vector<16xf32>,
      tpu.vector_store %arg7[%swap3A_615, %swap3A_616], %mul3A_614 {strides = array<i32>} : memref<32x64xf32, #tpu.memory_space<vmem>>, vector<16xf32>,
    }
    %scan3A_103 = arith.constant 32 : i32
    %mul3A_104 = arith.constant 32 : i32
    %mul3A_105 = arith.muli %add3A, %mul3A_104 : i32
    "tpu.region"() ({
      %run_scoped3A = tpu.sem_alloc : memref<!tpu.dma_semaphore, #tpu.memory_space<semaphore_mem>>
      %dma_start3A_106 = arith.constant 0 : i32
      %dma_start3A_107 = tpu.memref_slice %arg4[%mul3A_105, %dma_start3A_106] : memref<1024x64xf32, #tpu.memory_space<hbm>> -> memref<32x64xf32, #tpu.memory_space<hbm>>
      %dma_start3A_108 = arith.constant 0 : i32
      %dma_start3A_109 = tpu.memref_slice %arg4[%mul3A_105, %dma_start3A_108] : memref<1024x64xf32, #tpu.memory_space<hbm>> -> memref<32x64xf32, #tpu.memory_space<hbm>>
      tpu.enqueue_dma source(%arg7 : memref<32x64xf32, #tpu.memory_space<vmem>>) target(%dma_start3A_109 : memref<32x64xf32, #tpu.memory_space<hbm>>) target_semaphore(%run_scoped3A : memref<!tpu.dma_semaphore, #tpu.memory_space<semaphore_mem>>)
      %dma_wait3A_110 = arith.constant 0 : i32
      %dma_wait3A_111 = tpu.memref_slice %arg4[%mul3A_105, %dma_wait3A_110] : memref<1024x64xf32, #tpu.memory_space<hbm>> -> memref<32x64xf32, #tpu.memory_space<hbm>>
      %dma_wait3A_112 = arith.constant 0 : i32
      %dma_wait3A_113 = tpu.memref_slice %arg4[%mul3A_105, %dma_wait3A_112] : memref<1024x64xf32, #tpu.memory_space<hbm>> -> memref<32x64xf32, #tpu.memory_space<hbm>>
      tpu.wait_dma2 semaphore(%run_scoped3A : memref<!tpu.dma_semaphore, #tpu.memory_space<semaphore_mem>>) src(%arg7 : memref<32x64xf32, #tpu.memory_space<vmem>>) dst(%dma_wait3A_113 : memref<32x64xf32, #tpu.memory_space<hbm>>)
      tpu.yield
    }) : () -> ()
    return
  }
}

module attributes {stable_mosaic.version = 14 : i64} {
  func.func @_tr_body(%arg0: i32, %arg1: memref<64x16384xf32, #tpu.memory_space<vmem>>, %arg2: memref<8192x128xf32, #tpu.memory_space<vmem>>) attributes {dimension_semantics = [#tpu.dimension_semantics<arbitrary>], iteration_bounds = array<i64: 7>, scalar_prefetch = 0 : i64, scratch_operands = 0 : i64, tpu.core_type = #tpu.core_type<tc>, window_params = [{transform_indices = @transform_0, window_bounds = array<i64: 64, 16384>}, {transform_indices = @transform_1, window_bounds = array<i64: 8192, 128>}]} {
    %get3A = arith.constant 0 : index
    %get3A_0 = arith.constant 0 : index
    %get3A_1 = vector.load %arg1[%get3A, %get3A_0] : memref<64x16384xf32, #tpu.memory_space<vmem>>, vector<64x16384xf32>
    %mul3A = arith.mulf %get3A_1, %get3A_1 : vector<64x16384xf32>
    %reduce_sum3A = arith.constant dense<0.000000e+00> : vector<16384xf32>
    %reduce_sum3A_2 = vector.multi_reduction <add>, %mul3A, %reduce_sum3A [0] : vector<64x16384xf32> to vector<16384xf32>
    %broadcast_in_dim3A = vector.shape_cast %reduce_sum3A_2 : vector<16384xf32> to vector<1x16384xf32>
    %max3A = arith.constant 1.000000e-24 : f32
    %max3A_3 = vector.broadcast %max3A : f32 to vector<1x16384xf32>
    %max3A_4 = arith.maximumf %broadcast_in_dim3A, %max3A_3 : vector<1x16384xf32>
    %rsqrt3A = math.rsqrt %max3A_4 : vector<1x16384xf32>
    %min3A = arith.constant 1.000000e+00 : f32
    %min3A_5 = vector.broadcast %min3A : f32 to vector<1x16384xf32>
    %min3A_6 = arith.minimumf %min3A_5, %rsqrt3A : vector<1x16384xf32>
    %mul3A_7 = vector.broadcast %min3A_6 : vector<1x16384xf32> to vector<64x16384xf32>
    %mul3A_8 = arith.mulf %get3A_1, %mul3A_7 : vector<64x16384xf32>
    %iota3A = tpu.iota {dimensions = array<i32: 0>} : vector<64x64xi32>
    %iota3A_9 = tpu.iota {dimensions = array<i32: 1>} : vector<64x64xi32>
    %eq3A = arith.cmpi eq, %iota3A, %iota3A_9 : vector<64x64xi32>
    %convert_element_type3A = arith.extui %eq3A : vector<64x64xi1> to vector<64x64xi32>
    %convert_element_type3A_10 = arith.sitofp %convert_element_type3A : vector<64x64xi32> to vector<64x64xf32>
    %slice3A = vector.extract_strided_slice %mul3A_8 {offsets = [0, 0], sizes = [64, 8192], strides = [1, 1]} : vector<64x16384xf32> to vector<64x8192xf32>
    %slice3A_11 = vector.extract_strided_slice %mul3A_8 {offsets = [0, 8192], sizes = [64, 8192], strides = [1, 1]} : vector<64x16384xf32> to vector<64x8192xf32>
    %dot_general3A = arith.constant dense<0.000000e+00> : vector<8192x64xf32>
    %dot_general3A_12 = tpu.matmul %slice3A, %convert_element_type3A_10, %dot_general3A {dimension_numbers = #tpu.dot_dimension_numbers<[0], [0], [1], [1], [0, 1, 1, 1], [], []>, transpose_lhs_hint = false} : vector<64x8192xf32>, vector<64x64xf32>, vector<8192x64xf32> -> vector<8192x64xf32>
    %dot_general3A_13 = arith.constant dense<0.000000e+00> : vector<8192x64xf32>
    %dot_general3A_14 = tpu.matmul %slice3A_11, %convert_element_type3A_10, %dot_general3A_13 {dimension_numbers = #tpu.dot_dimension_numbers<[0], [0], [1], [1], [0, 1, 1, 1], [], []>, transpose_lhs_hint = false} : vector<64x8192xf32>, vector<64x64xf32>, vector<8192x64xf32> -> vector<8192x64xf32>
    %concatenate3A = tpu.concatenate %dot_general3A_12, %dot_general3A_14 in 1 : vector<8192x64xf32>, vector<8192x64xf32> -> vector<8192x128xf32>
    %swap3A = arith.constant 0 : index
    %swap3A_15 = arith.constant 0 : index
    %swap3A_16 = vector.load %arg2[%swap3A, %swap3A_15] : memref<8192x128xf32, #tpu.memory_space<vmem>>, vector<8192x128xf32>
    tpu.vector_store %arg2[%swap3A, %swap3A_15], %concatenate3A {strides = array<i32>} : memref<8192x128xf32, #tpu.memory_space<vmem>>, vector<8192x128xf32>,
    return
  }
  func.func @transform_0(%arg0: i32) -> (i32, i32) {
    %c0_i32 = arith.constant 0 : i32
    %c0_i32_0 = arith.constant 0 : i32
    return %c0_i32, %arg0 : i32, i32
  }
  func.func @transform_1(%arg0: i32) -> (i32, i32) {
    %c0_i32 = arith.constant 0 : i32
    %c0_i32_0 = arith.constant 0 : i32
    return %arg0, %c0_i32 : i32, i32
  }
}

module attributes {stable_mosaic.version = 14 : i64} {
  func.func @_mm_body(%arg0: i32, %arg1: memref<1024x64xf32, #tpu.memory_space<vmem>>, %arg2: memref<64x2048xf32, #tpu.memory_space<vmem>>, %arg3: memref<1x1x2048xf32, #tpu.memory_space<vmem>>, %arg4: memref<2048x1024xf32, #tpu.memory_space<vmem>>) attributes {dimension_semantics = [#tpu.dimension_semantics<arbitrary>], iteration_bounds = array<i64: 49>, scalar_prefetch = 0 : i64, scratch_operands = 0 : i64, tpu.core_type = #tpu.core_type<tc>, window_params = [{pipeline_mode = #tpu.pipeline_mode<synchronous>, transform_indices = @transform_0, window_bounds = array<i64: 1024, 64>}, {transform_indices = @transform_1, window_bounds = array<i64: 64, 2048>}, {transform_indices = @transform_2, window_bounds = array<i64: 1, 1, 2048>}, {transform_indices = @transform_3, window_bounds = array<i64: 2048, 1024>}]} {
    %get3A = arith.constant 0 : index
    %get3A_0 = arith.constant 0 : index
    %get3A_1 = vector.load %arg2[%get3A, %get3A_0] : memref<64x2048xf32, #tpu.memory_space<vmem>>, vector<64x2048xf32>
    %get3A_2 = arith.constant 0 : index
    %get3A_3 = arith.constant 0 : index
    %get3A_4 = vector.load %arg1[%get3A_2, %get3A_3] : memref<1024x64xf32, #tpu.memory_space<vmem>>, vector<1024x64xf32>
    %dot_general3A = arith.constant dense<0.000000e+00> : vector<2048x1024xf32>
    %dot_general3A_5 = tpu.matmul %get3A_1, %get3A_4, %dot_general3A {dimension_numbers = #tpu.dot_dimension_numbers<[0], [1], [1], [0], [0, 1, 1, 0], [], []>, transpose_lhs_hint = false} : vector<64x2048xf32>, vector<1024x64xf32>, vector<2048x1024xf32> -> vector<2048x1024xf32>
    %get3A_6 = arith.constant 0 : index
    %get3A_7 = arith.constant 0 : index
    %get3A_8 = arith.constant 0 : index
    %get3A_9 = vector.load %arg3[%get3A_6, %get3A_7, %get3A_8] : memref<1x1x2048xf32, #tpu.memory_space<vmem>>, vector<1x1x2048xf32>
    %get3A_10 = vector.shape_cast %get3A_9 : vector<1x1x2048xf32> to vector<1x2048xf32>
    %transpose3A = tpu.transpose %get3A_10, [1, 0] : vector<1x2048xf32> -> vector<2048x1xf32>
    %add3A = vector.broadcast %transpose3A : vector<2048x1xf32> to vector<2048x1024xf32>
    %add3A_11 = arith.addf %dot_general3A_5, %add3A : vector<2048x1024xf32>
    %swap3A = arith.constant 0 : index
    %swap3A_12 = arith.constant 0 : index
    %swap3A_13 = vector.load %arg4[%swap3A, %swap3A_12] : memref<2048x1024xf32, #tpu.memory_space<vmem>>, vector<2048x1024xf32>
    tpu.vector_store %arg4[%swap3A, %swap3A_12], %add3A_11 {strides = array<i32>} : memref<2048x1024xf32, #tpu.memory_space<vmem>>, vector<2048x1024xf32>,
    return
  }
  func.func @transform_0(%arg0: i32) -> (i32, i32) {
    %c0_i32 = arith.constant 0 : i32
    %c0_i32_0 = arith.constant 0 : i32
    %c0_i32_1 = arith.constant 0 : i32
    return %c0_i32, %c0_i32_0 : i32, i32
  }
  func.func @transform_1(%arg0: i32) -> (i32, i32) {
    %c0_i32 = arith.constant 0 : i32
    %c0_i32_0 = arith.constant 0 : i32
    return %c0_i32, %arg0 : i32, i32
  }
  func.func @transform_2(%arg0: i32) -> (i32, i32, i32) {
    %c0_i32 = arith.constant 0 : i32
    %c0_i32_0 = arith.constant 0 : i32
    %c0_i32_1 = arith.constant 0 : i32
    return %arg0, %c0_i32, %c0_i32_0 : i32, i32, i32
  }
  func.func @transform_3(%arg0: i32) -> (i32, i32) {
    %c0_i32 = arith.constant 0 : i32
    %c0_i32_0 = arith.constant 0 : i32
    return %arg0, %c0_i32 : i32, i32
  }
}

</mosaic_0001>

<sc_bundles>
// kernel: kernel.5.cloned.1.call-start
scs
__scs_entry_jumppad:
0x0: {  	(pc) =	sbr.rel $0x88, $3  }
0x1: {  	(tag) =	ssettag $0x0;
	lr =	simm.s32 $0x1  }
0x2: {  	[smem:$0x3F9D] =	sst lr;
	_ =	strace $0xD0000000  }
0x3: {  	_ = 	snop  }
0x4: {  	_ = 	snop  }
0x5: {  	_ = 	snop  }
0x6: {  	_ = 	snop  }
0x7: {  	_ = 	snop  }
__scs_overlays_trampoline_lowered:
0x8: {  	[smem:$0x3FAC] =	sst s0  }
0x9: {  	[smem:$0x3FAD] =	sst s1  }
0xa: {  	[smem:$0x3FAE] =	sst s2  }
0xb: {  	[smem:$0x3FAF] =	sst s3  }
0xc: {  	[smem:$0x3FB0] =	sst s4  }
0xd: {  	[smem:$0x3FB1] =	sst s5  }
0xe: {  	[smem:$0x3FB2] =	sst s6  }
0xf: {  	[smem:$0x3FB3] =	sst s7  }
0x10: {  	[smem:$0x3FB4] =	sst s8  }
0x11: {  	[smem:$0x3FB5] =	sst s9;
	s0 =	simm.s32 @!p0 $0x0  }
0x12: {  	s1 =	sld [smem:$0x3F9B];
	s0 =	simm.s32 @p0 $0x1  }
0x13: {  	[smem:$0x3FB6] =	sst s0;
	s0 =	simm.s32 @!p1 $0x0  }
0x14: {  	s2 =	sld [smem:$0x3F9A];
	s0 =	simm.s32 @p1 $0x1  }
0x15: {  	[smem:$0x3FB7] =	sst s0;
	s0 =	simm.s32 @!p2 $0x0  }
0x16: {  	s3 =	sld [smem:$0x3FDB];
	s0 =	simm.s32 @p2 $0x1  }
0x17: {  	s4 =	simm.s32 $0x1BF5;
	[smem:$0x3FB9] =	sst s0  }
0x18: {  	s0 =	sld [smem:$0x3F9C];
	_ =	swait.ge [sflag:s4], $0x0  }
0x19: {  	s7 =	sld [smem:$0x3F9D]  }
0x1a: {  	s8 =	sadd.s32 $0xFFFFE003, lr  }
0x1b: {  	s9 =	sadd.s32 $0xFFFFFEF7, lr;
	s5 =	simm.s32 $0xFFFFFFFF;
	p2 =	slt.u32 s8, $0xFFFFF086  }
0x1c: {  	p1 =	slt.u32 s9, $0xF7A;
	s5 =	simm.s32 @!p2 $0x0  }
0x1d: {  	s5 =	simm.s32 @p1 $0x1;
	p0 =	seq.s32 s7, s2  }
0x1e: {  	s7 =	smul.u32 @!p0 $0xF7A, s2;
	p2 =	seq.s32 @!p0 s5, $0x0  }
0x1f: {  	s9 =	smul.u32 $0xF7A, s1;
	s8 =	simm.s32 @!p0 $0x1BF5;
	p2 =	por !p2, p0  }
0x20: {  	[sflag:s8] =	ssyncset.s32 @!p0 $0xFFFFF086;
	s6 =	sadd.s32 @!p0 s3, s7;
	s7 =	simm.s32 @!p0 $0x108  }
0x21: {  	s3 =	sadd.s32 s3, s9;
	s6 =	sadd.s32 @!p0 $0x88, s6;
	s7 =	simm.s32 @p2 $0x1082  }
0x22: {  	[simem:s7], [sflag:s8] =	dma.local @!p0 [hbm:s6], $0xF7A  }
0x23: {  	s9 =	sor.u32 $0xD0000000, s2;
	s6 =	simm.s32 $0x108;
	_ =	swait.ge @!p0 [sflag:s8], $0x0  }
0x24: {  	s3 =	sadd.s32 $0x88, s3;
	s6 =	simm.s32 @!p1 $0x1082;
	[sflag:s4] =	ssyncset.s32 $0xFFFFF086  }
0x25: {  	[simem:s6], [sflag:s4] =	dma.local [hbm:s3], $0xF7A  }
0x26: {  	[smem:$0x3F9D] =	sst s1;
	(tag) =	ssettag s2;
	_ =	strace s9  }
0x27: {  	s1 =	sld [smem:$0x3FAD]  }
0x28: {  	s2 =	sld [smem:$0x3FAE]  }
0x29: {  	s4 =	sld [smem:$0x3FB0]  }
0x2a: {  	p0 =	seq.s32 s5, $0x0;
	s5 =	sld [smem:$0x3FB1]  }
0x2b: {  	s6 =	sld [smem:$0x3FB2]  }
0x2c: {  	s7 =	sld [smem:$0x3FB3]  }
0x2d: {  	s3 =	simm.s32 $0x108;
	s8 =	sld [smem:$0x3FB4]  }
0x2e: {  	s3 =	simm.s32 @!p0 $0x1082;
	s9 =	sld [smem:$0x3FB5]  }
0x2f: {  	lr =	sadd.s32 s0, s3;
	s0 =	sld [smem:$0x3FAC]  }
0x30: {  	s3 =	sld [smem:$0x3FAF]  }
0x31: {  	[smem:$0x3FB8] =	sst s10  }
0x32: {  	s10 =	sld [smem:$0x3FB6];
	_ =	sdelay $0x3  }
0x33: {  	p0 =	seq.s32 s10, $0x1;
	s10 =	sld [smem:$0x3FB8];
	_ =	sdelay $0x3  }
0x34: {  	[smem:$0x3FB8] =	sst s10  }
0x35: {  	s10 =	sld [smem:$0x3FB7];
	_ =	sdelay $0x3  }
0x36: {  	p1 =	seq.s32 s10, $0x1;
	s10 =	sld [smem:$0x3FB8];
	_ =	sdelay $0x3  }
0x37: {  	[smem:$0x3FB8] =	sst s10  }
0x38: {  	s10 =	sld [smem:$0x3FB9]  }
0x39: {  	_ = 	snop;
	(pc) =	sbr.ind lr, $3  }
0x3a: {  	_ = 	snop  }
0x3b: {  	_ = 	snop  }
0x3c: {  	p2 =	seq.s32 s10, $0x1;
	s10 =	sld [smem:$0x3FB8]  }
0x3d: {  	_ =	shalt  }
0x3e: {  	_ =	shalt  }
0x3f: {  	_ =	shalt  }
0x40: {  	_ =	shalt  }
0x41: {  	_ =	shalt  }
0x42: {  	_ =	shalt  }
0x43: {  	_ =	shalt  }
0x44: {  	_ =	shalt  }
0x45: {  	_ =	shalt  }
0x46: {  	_ =	shalt  }
0x47: {  	_ =	shalt  }
0x48: {  	_ =	shalt  }
0x49: {  	_ =	shalt  }
0x4a: {  	_ =	shalt  }
0x4b: {  	_ =	shalt  }
0x4c: {  	_ =	shalt  }
0x4d: {  	_ =	shalt  }
0x4e: {  	_ =	shalt  }
0x4f: {  	_ =	shalt  }
0x50: {  	_ =	shalt  }
0x51: {  	_ =	shalt  }
0x52: {  	_ =	shalt  }
0x53: {  	_ =	shalt  }
0x54: {  	_ =	shalt  }
0x55: {  	_ =	shalt  }
0x56: {  	_ =	shalt  }
0x57: {  	_ =	shalt  }
0x58: {  	_ =	shalt  }
0x59: {  	_ =	shalt  }
0x5a: {  	_ =	shalt  }
0x5b: {  	_ =	shalt  }
0x5c: {  	_ =	shalt  }
0x5d: {  	_ =	shalt  }
0x5e: {  	_ =	shalt  }
0x5f: {  	_ =	shalt  }
0x60: {  	_ =	shalt  }
0x61: {  	_ =	shalt  }
0x62: {  	_ =	shalt  }
0x63: {  	_ =	shalt  }
0x64: {  	_ =	shalt  }
0x65: {  	_ =	shalt  }
0x66: {  	_ =	shalt  }
0x67: {  	_ =	shalt  }
0x68: {  	_ =	shalt  }
0x69: {  	_ =	shalt  }
0x6a: {  	_ =	shalt  }
0x6b: {  	_ =	shalt  }
0x6c: {  	_ =	shalt  }
0x6d: {  	_ =	shalt  }
0x6e: {  	_ =	shalt  }
0x6f: {  	_ =	shalt  }
0x70: {  	_ =	shalt  }
0x71: {  	_ =	shalt  }
0x72: {  	_ =	shalt  }
0x73: {  	_ =	shalt  }
0x74: {  	_ =	shalt  }
0x75: {  	_ =	shalt  }
0x76: {  	_ =	shalt  }
0x77: {  	_ =	shalt  }
0x78: {  	_ =	shalt  }
0x79: {  	_ =	shalt  }
0x7a: {  	_ =	shalt  }
0x7b: {  	_ =	shalt  }
0x7c: {  	_ =	shalt  }
0x7d: {  	_ =	shalt  }
0x7e: {  	_ =	shalt  }
0x7f: {  	_ =	shalt  }
0x80: {  	_ =	shalt  }
0x81: {  	_ =	shalt  }
0x82: {  	_ =	shalt  }
0x83: {  	_ =	shalt  }
0x84: {  	_ =	shalt  }
0x85: {  	_ =	shalt  }
0x86: {  	_ =	shalt  }
0x87: {  	_ =	shalt  }
.Lfunc_end0:
.L_simem_size_0:
called_computation_lowered:
.L_overlay_start_0:
0x88: {  	s2 =	sld [smem:$0x3FD9]  }
0x89: {  	s3 =	sld [smem:$0x3FFE];
	_ =	sdelay $0x1  }
0x8a: {  	s1 =	srdreg.scid  }
0x8b: {  	s0 =	sand.u32 $0x1, s1  }
0x8c: {  	s17 =	sshll.u32 s0, $0xA;
	s2 =	sadd.s32 s3, s2  }
0x8d: {  	s2 =	sadd.s32 s2, s17  }
0x8e: {  	[smem:$0x3FC4] =	sst s2  }
0x8f: {  	_ = 	snop  }
0x90: {  	s2 =	sld [smem:$0x3FD0];
	(tm) =	ssettm $0x1  }
0x91: {  	s18 =	sld [smem:$0x3FFB];
	_ =	sdelay $0x3  }
0x92: {  	_ =	strace s18  }
0x93: {  	s3 =	sld [smem:$0x3FFC];
	_ =	sdelay $0x3  }
0x94: {  	_ =	strace s3  }
0x95: {  	s3 =	sld [smem:$0x3FFD];
	_ =	sdelay $0x3  }
0x96: {  	_ =	strace s3  }
0x97: {  	_ =	strace $0x8FFFFFFF  }
0x98: {  	s19 =	sld [smem:$0x3FDB];
	_ =	sdelay $0x1  }
0x99: {  	s4 =	simm.s32 $_scs_section_size  }
0x9a: {  	s5 =	simm.s32 $_size__tile_overlayer_lowered;
	s6 =	simm.s32 $_tile_overlayer_lowered  }
0x9b: {  	s22 =	simm.s32 $0x1BFF;
	s21 =	sshll.u32 s6, $0x1;
	s3 =	sadd.s32 s4, s19  }
0x9c: {  	s7 =	simm.s32 $0x0;
	s20 =	sshll.u32 s5, $0x1;
	s5 =	sadd.s32 s21, s3  }
0x9d: {  	[timem:s7], [sflag:s22] =	dma.local [hbm:s5], s20  }
0x9e: {  	_ =	swait.ge [sflag:s22], s20  }
0x9f: {  	s4 =	ssub.s32 $0x0, s20;
	[sflag:s22] =	ssyncset.done $0x0  }
0xa0: {  	[sflag:s22] =	ssyncadd.s32 s4;
	_ =	sdelay $0x1  }
0xa1: {  	s23 =	simm.s32 $0x1B8B  }
0xa2: {  	_ =	swait.ge [sflag:s23], $0x1  }
0xa3: {  	[sflag:s23] =	ssyncset.done $0x0  }
0xa4: {  	s25 =	simm.s32 $0x1B8E;
	s24 =	sld [smem:$0x3FFE];
	[sflag:s23] =	ssyncadd.s32 $0xFFFFFFFF  }
0xa5: {  	s26 =	simm.s32 $execute0_lowered;
	[smem:$0x3FD2] =	sst s25  }
0xa6: {  	s5 =	sshll.u32 s26, $0x1;
	_ =	strace $0x80000046;
	[dreg:$0x1] =	wrdreg $0xFFFFFFFF  }
0xa7: {  	s28 =	simm.s32 $_size_execute0_lowered;
	s3 =	sadd.s32 s3, s5;
	[dreg:$0x0] =	wrdreg $0x0  }
0xa8: {  	s5 =	sshll.u32 s28, $0x1;
	[dreg:$0x2] =	wrdreg s3  }
0xa9: {  	[dreg:$0x3] =	wrdreg s5  }
0xaa: {  	[dreg:$0x4] =	wrdreg $0xC0  }
0xab: {  	_ =	task [dreg:s7], $0x5FFFF  }
0xac: {  	[dreg:$0x1] =	wrdreg $0xFFFFFFFF  }
0xad: {  	[dreg:$0x0] =	wrdreg $0x60  }
0xae: {  	[dreg:$0x2] =	wrdreg s24  }
0xaf: {  	[dreg:$0x3] =	wrdreg s2  }
0xb0: {  	[dreg:$0x4] =	wrdreg $0x9  }
0xb1: {  	_ =	task.clear_ibuf [dreg:s7], $0x5FFFF;
	_ =	strace $0x90000046  }
0xb2: {  	s29 =	simm.s32 $0x9;
	_ =	strace $0x80000048  }
0xb3: {  	_ =	swait.ge [sflag:s29], $0x1  }
0xb4: {  	[sflag:s29] =	ssyncadd.s32 $0xFFFFFFFF  }
0xb5: {  	_ =	strace $0x90000048  }
0xb6: {  	_ =	sfence  }
0xb7: {  	s30 =	sld [smem:$0x0];
	_ =	sdelay $0x2  }
0xb8: {  	s31 =	sshll.u32 s1, $0xD;
	s1 =	sshrl.u32 s1, $0x2  }
0xb9: {  	s3 =	sand.u32 $0x4000, s31;
	s1 =	sadd.s32 s1, s30  }
0xba: {  	s0 =	sor.u32 s3, s0;
	s1 =	sshll.u32 s1, $0x11  }
0xbb: {  	s0 =	sor.u32 s1, s0  }
0xbc: {  	s0 =	sadd.s32 $0x8F2B, s0  }
0xbd: {  	[sflag:s0] =	ssyncadd.remote.s32 $0x1  }
0xbe: {  	_ =	sfence.sel $0xFFFF  }
0xbf: {  	[dreg:$0x0] =	wrdreg $0xFFFFFFFF;
	(pc) =	sbr.abs _section_cstart, $3  }
0xc0: {  	[dreg:$0x1] =	wrdreg $0xFFFFFFFF  }
0xc1: {  	_ =	task.clear_ibuf [dreg:s7], $0x2FFFF;
	_ =	strace $0x9FFFFFFF  }
0xc2: {  	(tm) =	ssettm $0x7FFFFFFF  }
0xc3: {  	_ =	shalt  }
tec
execute0_lowered:
.L_overlay_start_1:
0x0: {  	(tag) =	ssettag $0x1  }
0x1: {  	s4 =	rddreg [dreg:$0x0];
	s1 =	srdreg.scid  }
0x2: {  	s0 =	stileid.u32;
	s2 =	rddreg [dreg:$0x1]  }
0x3: {  	s3 =	simm.s32 $0x0;
	s9 =	simm.s32 $0x280;
	s10 =	simm.s32 $0x2280  }
0x4: {  	s11 =	simm.s32 $0x100;
	s12 =	simm.s32 $0x4280;
	s13 =	simm.s32 $0x180  }
0x5: {  	s14 =	simm.s32 $0x6280;
	s15 =	simm.s32 $0x200;
	s16 =	simm.s32 $0x8280  }
0x6: {  	s17 =	simm.s32 $0x1;
	s18 =	simm.s32 $0xA280;
	s19 =	simm.s32 $0x0  }
0x7: {  	s5 =	sand.u32 $0x1, s1;
	s6 =	sshll.u32 s0, $0x1;
	s1 =	rddreg [dreg:$0x2]  }
0x8: {  	[smem:$0x7FF] =	sst s3;
	s6 =	sor.u32 s5, s6;
	s5 =	ssub.s32 $0x2, s5  }
0x9: {  	s7 =	smul.u32 $0x50, s6;
	s6 =	sshll.u32 s6, $0x8;
	s8 =	sshrl.u32 s5, $0x1  }
0xa: {  	_ =	strace $0x80000047;
	s6 =	sadd.s32 s6, s4;
	s8 =	ssub.s32 s5, s8  }
0xb: {  	s7 =	sadd.s32 s7, s4;
	s5 =	sadd.s32 $0x1000, s6;
	s6 =	smax.u32 s8, $0x1  }
0xc: {  	s8 =	simm.s32 $0x80;
	s4 =	sadd.s32 $0x600, s7;
	s7 =	simm.s32 $0x2  }
.LBB2_1:
0xd: {  	[tilespmem:s3], [sflag:$0x2] =	stream.linear.gather [hbm4b:s4+s3], $0x280, $0x38;
	[tilespmem:$0xAA80] =	vst v63  }
0xe: {  	_ =	swait.ge [sflag:s7], $0x280  }
0xf: {  	[sflag:s7] =	ssyncset.done $0x0  }
0x10: {  	[sflag:s7] =	ssyncadd.s32 $0xFFFFFD80  }
0x11: {  	[tilespmem:s9], [sflag:$0x1] =	stream.indirect.gather [hbm4b:s2+s8], $0x40, s3, s8, $0xb8;
	[tilespmem:$0xAA80] =	vst v63  }
0x12: {  	_ = 	snop  }
0x13: {  	[tilespmem:s10], [sflag:$0x1] =	stream.indirect.gather [hbm4b:s2+s8], $0x40, s8, s8, $0xb8;
	[tilespmem:$0xAA80] =	vst v63  }
0x14: {  	_ = 	snop  }
0x15: {  	[tilespmem:s12], [sflag:$0x1] =	stream.indirect.gather [hbm4b:s2+s8], $0x40, s11, s8, $0xb8;
	[tilespmem:$0xAA80] =	vst v63  }
0x16: {  	_ = 	snop  }
0x17: {  	[tilespmem:s14], [sflag:$0x1] =	stream.indirect.gather [hbm4b:s2+s8], $0x40, s13, s8, $0xb8;
	[tilespmem:$0xAA80] =	vst v63  }
0x18: {  	_ = 	snop  }
0x19: {  	[tilespmem:s16], [sflag:$0x1] =	stream.indirect.gather [hbm4b:s2+s8], $0x40, s15, s8, $0xb8;
	[tilespmem:$0xAA80] =	vst v63  }
0x1a: {  	_ =	swait.ge [sflag:s17], $0x2000  }
0x1b: {  	[sflag:s17] =	ssyncset.done $0x0  }
0x1c: {  	[sflag:s17] =	ssyncadd.s32 $0xFFFFE000  }
0x1d: {  	_ =	swait.ge [sflag:s17], $0x2000  }
0x1e: {  	[sflag:s17] =	ssyncset.done $0x0  }
0x1f: {  	[sflag:s17] =	ssyncadd.s32 $0xFFFFE000  }
0x20: {  	_ =	swait.ge [sflag:s17], $0x2000  }
0x21: {  	[sflag:s17] =	ssyncset.done $0x0  }
0x22: {  	[sflag:s17] =	ssyncadd.s32 $0xFFFFE000  }
0x23: {  	_ =	swait.ge [sflag:s17], $0x2000  }
0x24: {  	[sflag:s17] =	ssyncset.done $0x0  }
0x25: {  	[sflag:s17] =	ssyncadd.s32 $0xFFFFE000  }
0x26: {  	_ =	swait.ge [sflag:s17], $0x2000  }
0x27: {  	[sflag:s17] =	ssyncset.done $0x0  }
0x28: {  	s20 =	simm.s32 $0x500;
	s21 =	simm.s32 $0x0;
	[sflag:s17] =	ssyncadd.s32 $0xFFFFE000  }
.LBB2_2:
0x29: {  	v0 =	vld [tilespmem:s20+$0xFFFFFD80]  }
0x2a: {  	v1 =	vld [tilespmem:s20+$0xFFFFFD90]  }
0x2b: {  	v2 =	vld [tilespmem:s20+$0xFFFFFDA0]  }
0x2c: {  	v3 =	vld [tilespmem:s20+$0xFFFFFDB0]  }
0x2d: {  	v4 =	vld [tilespmem:s20+$0xFFFFFDC0]  }
0x2e: {  	v5 =	vld [tilespmem:s20+$0xFFFFFDD0]  }
0x2f: {  	v6 =	vld [tilespmem:s20+$0xFFFFFDE0]  }
0x30: {  	v7 =	vld [tilespmem:s20+$0xFFFFFDF0]  }
0x31: {  	v8 =	vld [tilespmem:s20+$0xFFFFFE00]  }
0x32: {  	v9 =	vld [tilespmem:s20+$0xFFFFFE10]  }
0x33: {  	v10 =	vld [tilespmem:s20+$0xFFFFFE20]  }
0x34: {  	v11 =	vld [tilespmem:s20+$0xFFFFFE30]  }
0x35: {  	v12 =	vld [tilespmem:s20+$0xFFFFFE40]  }
0x36: {  	v13 =	vld [tilespmem:s20+$0xFFFFFE50]  }
0x37: {  	v14 =	vld [tilespmem:s20+$0xFFFFFE60]  }
0x38: {  	v15 =	vld [tilespmem:s20+$0xFFFFFE70]  }
0x39: {  	v16 =	vld [tilespmem:s20+$0xFFFFFE80]  }
0x3a: {  	v17 =	vld [tilespmem:s20+$0xFFFFFE90]  }
0x3b: {  	v18 =	vld [tilespmem:s20+$0xFFFFFEA0]  }
0x3c: {  	v19 =	vld [tilespmem:s20+$0xFFFFFEB0]  }
0x3d: {  	v20 =	vld [tilespmem:s20+$0xFFFFFEC0]  }
0x3e: {  	v21 =	vld [tilespmem:s20+$0xFFFFFED0]  }
0x3f: {  	v22 =	vld [tilespmem:s20+$0xFFFFFEE0]  }
0x40: {  	v23 =	vld [tilespmem:s20+$0xFFFFFEF0]  }
0x41: {  	v24 =	vld [tilespmem:s20+$0xFFFFFF00]  }
0x42: {  	v25 =	vld [tilespmem:s20+$0xFFFFFF10]  }
0x43: {  	v26 =	vld [tilespmem:s20+$0xFFFFFF20]  }
0x44: {  	v27 =	vld [tilespmem:s20+$0xFFFFFF30]  }
0x45: {  	v28 =	vld [tilespmem:s20+$0xFFFFFF40]  }
0x46: {  	v29 =	vld [tilespmem:s20+$0xFFFFFF50]  }
0x47: {  	v30 =	vld [tilespmem:s20+$0xFFFFFF60]  }
0x48: {  	v31 =	vld [tilespmem:s20+$0xFFFFFF70]  }
0x49: {  	v32 =	vld [tilespmem:s20+$0xFFFFFF80]  }
0x4a: {  	v33 =	vld [tilespmem:s20+$0xFFFFFF90]  }
0x4b: {  	v34 =	vld [tilespmem:s20+$0xFFFFFFA0]  }
0x4c: {  	v35 =	vld [tilespmem:s20+$0xFFFFFFB0]  }
0x4d: {  	v36 =	vld [tilespmem:s20+$0xFFFFFFC0]  }
0x4e: {  	v37 =	vld [tilespmem:s20+$0xFFFFFFD0]  }
0x4f: {  	v38 =	vld [tilespmem:s20+$0xFFFFFFE0]  }
0x50: {  	v39 =	vld [tilespmem:s20+$0xFFFFFFF0]  }
0x51: {  	v40 =	vld [tilespmem:s20+$0x0]  }
0x52: {  	v41 =	vld [tilespmem:s20+$0x10]  }
0x53: {  	v42 =	vld [tilespmem:s20+$0x20]  }
0x54: {  	v43 =	vld [tilespmem:s20+$0x30];
	v0 =	vadd.f32 $0.0e+00, v0  }
0x55: {  	v44 =	vld [tilespmem:s20+$0x40];
	v1 =	vadd.f32 $0.0e+00, v1  }
0x56: {  	v52 =	vld [tilespmem:s20+$0x50];
	v2 =	vadd.f32 $0.0e+00, v2;
	v0 =	vadd.f32 v4, v0  }
0x57: {  	v53 =	vld [tilespmem:s20+$0x60];
	v3 =	vadd.f32 $0.0e+00, v3;
	v1 =	vadd.f32 v5, v1  }
0x58: {  	v54 =	vld [tilespmem:s20+$0x70];
	v2 =	vadd.f32 v6, v2;
	v0 =	vadd.f32 v8, v0  }
0x59: {  	v55 =	vld [tilespmem:s20+$0x80];
	v3 =	vadd.f32 v7, v3;
	v1 =	vadd.f32 v9, v1  }
0x5a: {  	v56 =	vld [tilespmem:s20+$0x90];
	v2 =	vadd.f32 v10, v2;
	v0 =	vadd.f32 v12, v0  }
0x5b: {  	v57 =	vld [tilespmem:s20+$0xA0];
	v3 =	vadd.f32 v11, v3;
	v1 =	vadd.f32 v13, v1  }
0x5c: {  	v58 =	vld [tilespmem:s20+$0xB0];
	v2 =	vadd.f32 v14, v2;
	v0 =	vadd.f32 v16, v0  }
0x5d: {  	v59 =	vld [tilespmem:s20+$0xC0];
	v3 =	vadd.f32 v15, v3;
	v1 =	vadd.f32 v17, v1  }
0x5e: {  	v60 =	vld [tilespmem:s20+$0xD0];
	v2 =	vadd.f32 v18, v2;
	v0 =	vadd.f32 v20, v0  }
0x5f: {  	v61 =	vld [tilespmem:s20+$0xE0];
	v3 =	vadd.f32 v19, v3;
	v1 =	vadd.f32 v21, v1  }
0x60: {  	v62 =	vld [tilespmem:s20+$0xF0];
	v2 =	vadd.f32 v22, v2;
	v0 =	vadd.f32 v24, v0  }
0x61: {  	v63 =	vld [tilespmem:s20+$0x100];
	v3 =	vadd.f32 v23, v3;
	v1 =	vadd.f32 v25, v1  }
0x62: {  	v45 =	vld [tilespmem:s20+$0x170];
	v2 =	vadd.f32 v26, v2;
	v0 =	vadd.f32 v28, v0  }
0x63: {  	v46 =	vld [tilespmem:s20+$0x180];
	v3 =	vadd.f32 v27, v3;
	v1 =	vadd.f32 v29, v1  }
0x64: {  	v47 =	vld [tilespmem:s20+$0x190];
	v2 =	vadd.f32 v30, v2;
	v0 =	vadd.f32 v32, v0  }
0x65: {  	v48 =	vld [tilespmem:s20+$0x1A0];
	v3 =	vadd.f32 v31, v3;
	v1 =	vadd.f32 v33, v1  }
0x66: {  	v49 =	vld [tilespmem:s20+$0x1B0];
	v2 =	vadd.f32 v34, v2;
	v0 =	vadd.f32 v36, v0  }
0x67: {  	v50 =	vld [tilespmem:s20+$0x1C0];
	v3 =	vadd.f32 v35, v3;
	v1 =	vadd.f32 v37, v1  }
0x68: {  	v51 =	vld [tilespmem:s20+$0x1D0];
	v2 =	vadd.f32 v38, v2;
	v0 =	vadd.f32 v40, v0  }
0x69: {  	v28 =	vld [tilespmem:s20+$0x110];
	v3 =	vadd.f32 v39, v3;
	v1 =	vadd.f32 v41, v1  }
0x6a: {  	v29 =	vld [tilespmem:s20+$0x120];
	v2 =	vadd.f32 v42, v2;
	v0 =	vadd.f32 v44, v0  }
0x6b: {  	v32 =	vld [tilespmem:s20+$0x130];
	v3 =	vadd.f32 v43, v3;
	v1 =	vadd.f32 v52, v1  }
0x6c: {  	v33 =	vld [tilespmem:s20+$0x140];
	v2 =	vadd.f32 v53, v2;
	v0 =	vadd.f32 v55, v0  }
0x6d: {  	v36 =	vld [tilespmem:s20+$0x150];
	v3 =	vadd.f32 v54, v3;
	v1 =	vadd.f32 v56, v1  }
0x6e: {  	v37 =	vld [tilespmem:s20+$0x160];
	v2 =	vadd.f32 v57, v2;
	v0 =	vadd.f32 v59, v0  }
0x6f: {  	v52 =	vld [tilespmem:s20+$0x1E0];
	v3 =	vadd.f32 v58, v3;
	v1 =	vadd.f32 v60, v1  }
0x70: {  	v53 =	vld [tilespmem:s20+$0x1F0];
	v2 =	vadd.f32 v61, v2;
	v0 =	vadd.f32 v63, v0  }
0x71: {  	v54 =	vld [tilespmem:s20+$0x200];
	v3 =	vadd.f32 v62, v3;
	v1 =	vadd.f32 v28, v1  }
0x72: {  	v55 =	vld [tilespmem:s20+$0x210];
	v2 =	vadd.f32 v29, v2;
	v0 =	vadd.f32 v33, v0  }
0x73: {  	v56 =	vld [tilespmem:s20+$0x220];
	v3 =	vadd.f32 v32, v3;
	v1 =	vadd.f32 v36, v1  }
0x74: {  	v57 =	vld [tilespmem:s20+$0x230];
	v2 =	vadd.f32 v37, v2;
	v0 =	vadd.f32 v46, v0  }
0x75: {  	v58 =	vld [tilespmem:s20+$0x240];
	v3 =	vadd.f32 v45, v3;
	v1 =	vadd.f32 v47, v1  }
0x76: {  	v59 =	vld [tilespmem:s20+$0x250];
	v2 =	vadd.f32 v48, v2;
	v0 =	vadd.f32 v50, v0  }
0x77: {  	v60 =	vld [tilespmem:s20+$0x260];
	v3 =	vadd.f32 v49, v3;
	v1 =	vadd.f32 v51, v1  }
0x78: {  	v61 =	vld [tilespmem:s20+$0x270];
	v2 =	vadd.f32 v52, v2;
	v0 =	vadd.f32 v54, v0  }
0x79: {  	v3 =	vadd.f32 v53, v3;
	v1 =	vadd.f32 v55, v1  }
0x7a: {  	v2 =	vadd.f32 v56, v2;
	v0 =	vadd.f32 v58, v0  }
0x7b: {  	v3 =	vadd.f32 v57, v3;
	v1 =	vadd.f32 v59, v1  }
0x7c: {  	p0 =	sne.s32 s21, $0x1F00;
	v2 =	vadd.f32 v60, v2;
	v0 =	vmul.f32 $5.000000070e-02, v0  }
.Ltmp0:
0x7d: {  	s22 =	sshra.s32 s21, $0x2;
	v3 =	vadd.f32 v61, v3;
	v1 =	vmul.f32 $5.000000070e-02, v1;
	(pc) =	sbr.rel @p0 .LBB2_2-.Ltmp0, $4  }
0x7e: {  	v62 =	vmul.f32 $5.000000070e-02, v2;
	[tilespmem:s22+$0xA280] =	vst v0  }
0x7f: {  	v63 =	vmul.f32 $5.000000070e-02, v3;
	[tilespmem:s22+$0xA290] =	vst v1  }
0x80: {  	[tilespmem:s22+$0xA2A0] =	vst v62  }
0x81: {  	s21 =	sadd.s32 $0x100, s21;
	s20 =	sadd.s32 $0x500, s20;
	[tilespmem:s22+$0xA2B0] =	vst v63  }
0x82: {  	s19 =	sadd.s32 $0x1, s19  }
0x83: {  	p0 =	sne.s32 s19, s6  }
.Ltmp1:
0x84: {  	_ = 	snop;
	(pc) =	sbr.rel @p0 .LBB2_1-.Ltmp1, $4  }
0x85: {  	[hbm4b:s5+s3] =	stream.linear.scatter [tilespmem:s18], [sflag:$0x2], $0x800, $0x38;
	[tilespmem:$0xAA80] =	vst v63  }
0x86: {  	_ =	swait.ge [sflag:s7], $0x800  }
0x87: {  	[sflag:s7] =	ssyncset.done $0x0  }
0x88: {  	[sflag:s7] =	ssyncadd.s32 $0xFFFFF800  }
0x89: {  	_ =	sfence.sel $0x180000  }
0x8a: {  	[bflag:$0x0] =	sbarrier.arrive $0xFFFF  }
0x8b: {  	p0 =	sne.s32 s0, $0x0;
	_ =	strace $0x90000047  }
0x8c: {  	s0 =	sadd.s32 @!p0 $0x100000, s1;
	[bflag:$0x2] =	sbarrier.arrive $0xFFFF  }
0x8d: {  	[sflag:s0] =	ssyncadd.tile.s32 @!p0 $0x1;
	_ =	shalt  }
.Lfunc_end2:
_tile_overlayer_lowered:
.L_overlay_start_2:
0x8e: {  	(tag) =	ssettag $0x2  }
0x8f: {  	s0 =	rddreg [dreg:$0x0];
	s2 =	stileid.u32  }
0x90: {  	s1 =	rddreg [dreg:$0x1];
	p0 =	sne.s32 s2, $0x0  }
0x91: {  	s3 =	rddreg [dreg:$0x2];
	[bflag:$0x3] =	sbarrier.arrive $0xFFFF;
	s2 =	simm.s32 @!p0 $0x1C02  }
0x92: {  	[timem:s3], [sflag:s2] =	dma.local @!p0 [hbm:s0], s1  }
0x93: {  	s0 =	simm.s32 @!p0 $0x2  }
0x94: {  	_ =	swait.ge @!p0 [sflag:s0], s1  }
0x95: {  	s1 =	ssub.s32 @!p0 $0x0, s1;
	[sflag:s0] =	ssyncset.done @!p0 $0x0  }
0x96: {  	[sflag:s0] =	ssyncadd.s32 @!p0 s1  }
0x97: {  	[bflag:$0x3] =	sbarrier.arrive $0xFFFF  }
0x98: {  	_ =	shalt  }

</sc_bundles>
